<compile_context>
chip_gen: v7x
topology: tpu7x:2x2x1
jax: 0.10.2.dev20260603
libtpu: 0.0.44.dev20260713+nightly
codegen_flags: <defaults>
</compile_context>

<pallas_src>
import functools

import jax
import jax.numpy as jnp
from jax import lax
from jax.experimental import pallas as pl
from jax.experimental.pallas import tpu as pltpu
from jax.experimental.pallas import tpu_sc as plsc

_NUM_FIELDS = 26
_VOCAB = 100000
_EMB_DIM = 32
_BATCH = 4096

_NC = 2
_NS = 16
_NW = _NC * _NS

_ROWS = _NUM_FIELDS * _EMB_DIM
_CHUNKS = (416, 416)

_NT = 100096 // 128
_GWORDS = _NT * 1024
_SLICE = 799872
_CT = 782

_mesh = plsc.VectorSubcoreMesh(core_axis_name="c", subcore_axis_name="s")


def _relabel_body(in_ref, out_ref):
    blk = in_ref[...]
    out_ref[...] = (
        blk.reshape(8, _CT, 128).swapaxes(0, 1).reshape(_CT * 8, 128)
    )


def _make_relabel(group0, ngroups):
    return pl.pallas_call(
        _relabel_body,
        out_shape=jax.ShapeDtypeStruct((ngroups * _NT * 8, 128), jnp.float32),
        grid=(ngroups,),
        in_specs=[pl.BlockSpec((8, _CT * 128), lambda g: (g + group0, 0))],
        out_specs=pl.BlockSpec((_CT * 8, 128), lambda g: (g, 0)),
    )


def _make_gather(row0, nrows):
    rpw = nrows // _NW

    @functools.partial(
        pl.kernel,
        out_type=jax.ShapeDtypeStruct((nrows * _BATCH,), jnp.float32),
        mesh=_mesh,
        scratch_types=[
            pltpu.VMEM((2 * _BATCH,), jnp.int32),
            pltpu.VMEM((rpw * _BATCH,), jnp.float32),
            pltpu.SemaphoreType.DMA,
        ],
        compiler_params=pltpu.CompilerParams(use_tc_tiling_on_sc=False),
    )
    def _gather_chunk(ids_hbm, flat_hbm, out_hbm, offs_v, rows_v, sem):
        wid = lax.axis_index("s") * _NC + lax.axis_index("c")
        r0 = wid * rpw
        f0 = (row0 + r0) // _EMB_DIM
        f1 = jnp.minimum(f0 + 1, _NUM_FIELDS - 1)

        pltpu.sync_copy(ids_hbm.at[pl.ds(f0 * _BATCH, _BATCH)],
                        offs_v.at[pl.ds(0, _BATCH)])
        pltpu.sync_copy(ids_hbm.at[pl.ds(f1 * _BATCH, _BATCH)],
                        offs_v.at[pl.ds(_BATCH, _BATCH)])

        def to_offs(p, _):
            sl = pl.ds(pl.multiple_of(p * 16, 16), 16)
            v = offs_v[sl]
            offs_v[sl] = ((v >> 7) << 10) | (v & 127)
            return 0

        lax.fori_loop(0, 2 * _BATCH // 16, to_offs, 0)

        def copy_q(q):
            r = r0 + q
            lf = (row0 + r) // _EMB_DIM - f0
            base = pl.multiple_of((r // 8) * _GWORDS + (r % 8) * 128, 128)
            return pltpu.make_async_copy(
                flat_hbm.at[pl.ds(base, _SLICE)]
                        .at[offs_v.at[pl.ds(lf * _BATCH, _BATCH)]],
                rows_v.at[pl.ds(q * _BATCH, _BATCH)],
                sem,
            )

        def fire(q, _):
            copy_q(q).start()
            return 0

        def drain(q, _):
            copy_q(q).wait()
            return 0

        lax.fori_loop(0, rpw, fire, 0)
        lax.fori_loop(0, rpw, drain, 0)

        pltpu.sync_copy(rows_v, out_hbm.at[pl.ds(r0 * _BATCH, rpw * _BATCH)])

    return _gather_chunk


def _chunk_row0s():
    acc, out = 0, []
    for n in _CHUNKS:
        out.append(acc)
        acc += n
    return tuple(out)


_ROW0S = _chunk_row0s()
_relabels = [_make_relabel(r0 // 8, n // 8) for r0, n in zip(_ROW0S, _CHUNKS)]
_gathers = [_make_gather(r0, n) for r0, n in zip(_ROW0S, _CHUNKS)]


def kernel(x, tables):
    ids = x.T.reshape(_NUM_FIELDS * _BATCH)
    tab2 = tables.transpose(0, 2, 1).reshape(_ROWS, _VOCAB)
    outs = []
    for k in range(len(_CHUNKS)):
        nflat = (_CHUNKS[k] // 8) * _NT * 8 * 128
        flat = _relabels[k](tab2).reshape(nflat)
        outs.append(_gathers[k](ids, flat))
    out = jnp.concatenate(outs)
    return out.reshape(_NUM_FIELDS, _EMB_DIM, _BATCH).transpose(2, 0, 1)

# --- scband reference (transcript-rebuilt; emitter-appended) ---
"""Pipeline reference for scband-ce-24696061952406 (READ-ONLY COPY).

The authoritative reference and input builder live on the scoring server;
editing this copy changes nothing except your own understanding.
"""

import jax, jax.numpy as jnp
import numpy as np

NUM_FIELDS = 26
VOCAB = 100000
EMB_DIM = 32
BATCH = 4096


def setup_inputs(seed: int = 0) -> dict:
    key = jax.random.key(seed)
    k1, k2 = jax.random.split(key)
    # x[:, i] are the integer ids produced by the StringLookup for feature i.
    x = jax.random.randint(k1, (BATCH, NUM_FIELDS), 0, VOCAB, dtype=jnp.int32)
    # One embedding table per categorical feature, stacked: tables[i] is the
    # Embedding(input_dim=VOCAB, output_dim=EMB_DIM) weight for feature i.
    tables = jax.random.normal(k2, (NUM_FIELDS, VOCAB, EMB_DIM), dtype=jnp.float32) * 0.05
    return {"x": x, "tables": tables}


def reference(x, tables):
    # Faithful translation of CE.call: per-feature lookup + embedding, then stack.
    emb_columns = []
    for i in range(NUM_FIELDS):
        # embed_column(f, x[:, i]) == tables[i][ids]
        emb_columns.append(jnp.take(tables[i], x[:, i], axis=0))
    embs = jnp.stack(emb_columns, axis=1)  # [BATCH, NUM_FIELDS, EMB_DIM]
    return embs

if __name__ == "__main__":
    import jax
    _d = setup_inputs()
    print(jax.jit(kernel)(*tuple(_d.values())))

</pallas_src>

<mosaic_0001>
#map = affine_map<(d0, d1) -> (0)>
module attributes {stable_mosaic.version = 14 : i64} {
  func.func @_gather_chunk(%arg0: i32, %arg1: i32, %arg2: memref<106496xi32, #tpu.memory_space<hbm>>, %arg3: memref<41639936xf32, #tpu.memory_space<hbm>>, %arg4: memref<1703936xf32, #tpu.memory_space<hbm>>, %arg5: memref<8192xi32, #tpu.memory_space<vmem>>, %arg6: memref<53248xf32, #tpu.memory_space<vmem>>, %arg7: memref<!tpu.dma_semaphore, #tpu.memory_space<semaphore_mem>>) attributes {dimension_semantics = [#tpu.dimension_semantics<core_parallel>, #tpu.dimension_semantics<subcore_parallel>], iteration_bounds = array<i64: 2, 16>, scalar_prefetch = 0 : i64, scratch_operands = 3 : i64, tpu.core_type = #tpu.core_type<sc_vector_subcore>, window_params = [{transform_indices = #map}, {transform_indices = #map}, {transform_indices = #map}]} {
    %mul3A = arith.constant 2 : i32
    %mul3A_0 = arith.muli %arg1, %mul3A : i32
    %add3A = arith.addi %mul3A_0, %arg0 : i32
    %mul3A_1 = arith.constant 13 : i32
    %mul3A_2 = arith.muli %add3A, %mul3A_1 : i32
    %add3A_3 = arith.constant 0 : i32
    %add3A_4 = arith.addi %add3A_3, %mul3A_2 : i32
    %jit3A = arith.constant 32 : i32
    %div3A = arith.divsi %add3A_4, %jit3A : i32
    %sign3A = arith.constant 0 : i32
    %sign3A_5 = arith.cmpi sgt, %add3A_4, %sign3A : i32
    %sign3A_6 = arith.extui %sign3A_5 : i1 to i32
    %sign3A_7 = arith.constant 0 : i32
    %sign3A_8 = arith.cmpi slt, %add3A_4, %sign3A_7 : i32
    %sign3A_9 = arith.extui %sign3A_8 : i1 to i32
    %sign3A_10 = arith.subi %sign3A_6, %sign3A_9 : i32
    %sign3A_11 = arith.constant 0 : i32
    %sign3A_12 = arith.cmpi sgt, %jit3A, %sign3A_11 : i32
    %sign3A_13 = arith.extui %sign3A_12 : i1 to i32
    %sign3A_14 = arith.constant 0 : i32
    %sign3A_15 = arith.cmpi slt, %jit3A, %sign3A_14 : i32
    %sign3A_16 = arith.extui %sign3A_15 : i1 to i32
    %sign3A_17 = arith.subi %sign3A_13, %sign3A_16 : i32
    %ne3A = arith.cmpi ne, %sign3A_10, %sign3A_17 : i32
    %rem3A = arith.remsi %add3A_4, %jit3A : i32
    %ne3A_18 = arith.constant 0 : i32
    %ne3A_19 = arith.cmpi ne, %rem3A, %ne3A_18 : i32
    %and3A = arith.andi %ne3A, %ne3A_19 : i1
    %sub3A = arith.constant 1 : i32
    %sub3A_20 = arith.subi %div3A, %sub3A : i32
    %select_n3A = arith.select %and3A, %sub3A_20, %div3A : i32
    %add3A_21 = arith.constant 1 : i32
    %add3A_22 = arith.addi %select_n3A, %add3A_21 : i32
    %min3A = arith.constant 25 : i32
    %min3A_23 = arith.minsi %add3A_22, %min3A : i32
    %mul3A_24 = arith.constant 4096 : i32
    %mul3A_25 = arith.muli %select_n3A, %mul3A_24 : i32
    "tpu.region"() ({
      %run_scoped3A = tpu.sem_alloc : memref<!tpu.dma_semaphore, #tpu.memory_space<semaphore_mem>>
      %dma_start3A = arith.constant 0 : i32
      %dma_start3A_50 = tpu.memref_slice %arg5[%dma_start3A] : memref<8192xi32, #tpu.memory_space<vmem>> -> memref<4096xi32, #tpu.memory_space<vmem>>
      %dma_start3A_51 = tpu.memref_slice %arg2[%mul3A_25] : memref<106496xi32, #tpu.memory_space<hbm>> -> memref<4096xi32, #tpu.memory_space<hbm>>
      %dma_start3A_52 = arith.constant 0 : i32
      %dma_start3A_53 = tpu.memref_slice %arg5[%dma_start3A_52] : memref<8192xi32, #tpu.memory_space<vmem>> -> memref<4096xi32, #tpu.memory_space<vmem>>
      %dma_start3A_54 = tpu.memref_slice %arg2[%mul3A_25] : memref<106496xi32, #tpu.memory_space<hbm>> -> memref<4096xi32, #tpu.memory_space<hbm>>
      tpu.enqueue_dma source(%dma_start3A_54 : memref<4096xi32, #tpu.memory_space<hbm>>) target(%dma_start3A_53 : memref<4096xi32, #tpu.memory_space<vmem>>) target_semaphore(%run_scoped3A : memref<!tpu.dma_semaphore, #tpu.memory_space<semaphore_mem>>)
      %dma_wait3A = arith.constant 0 : i32
      %dma_wait3A_55 = tpu.memref_slice %arg5[%dma_wait3A] : memref<8192xi32, #tpu.memory_space<vmem>> -> memref<4096xi32, #tpu.memory_space<vmem>>
      %dma_wait3A_56 = tpu.memref_slice %arg2[%mul3A_25] : memref<106496xi32, #tpu.memory_space<hbm>> -> memref<4096xi32, #tpu.memory_space<hbm>>
      %dma_wait3A_57 = arith.constant 0 : i32
      %dma_wait3A_58 = tpu.memref_slice %arg5[%dma_wait3A_57] : memref<8192xi32, #tpu.memory_space<vmem>> -> memref<4096xi32, #tpu.memory_space<vmem>>
      %dma_wait3A_59 = tpu.memref_slice %arg2[%mul3A_25] : memref<106496xi32, #tpu.memory_space<hbm>> -> memref<4096xi32, #tpu.memory_space<hbm>>
      tpu.wait_dma2 semaphore(%run_scoped3A : memref<!tpu.dma_semaphore, #tpu.memory_space<semaphore_mem>>) src(%dma_wait3A_59 : memref<4096xi32, #tpu.memory_space<hbm>>) dst(%dma_wait3A_58 : memref<4096xi32, #tpu.memory_space<vmem>>)
      tpu.yield
    }) : () -> ()
    %mul3A_26 = arith.constant 4096 : i32
    %mul3A_27 = arith.muli %min3A_23, %mul3A_26 : i32
    "tpu.region"() ({
      %run_scoped3A = tpu.sem_alloc : memref<!tpu.dma_semaphore, #tpu.memory_space<semaphore_mem>>
      %dma_start3A = arith.constant 4096 : i32
      %dma_start3A_50 = tpu.memref_slice %arg5[%dma_start3A] : memref<8192xi32, #tpu.memory_space<vmem>> -> memref<4096xi32, #tpu.memory_space<vmem>>
      %dma_start3A_51 = tpu.memref_slice %arg2[%mul3A_27] : memref<106496xi32, #tpu.memory_space<hbm>> -> memref<4096xi32, #tpu.memory_space<hbm>>
      %dma_start3A_52 = arith.constant 4096 : i32
      %dma_start3A_53 = tpu.memref_slice %arg5[%dma_start3A_52] : memref<8192xi32, #tpu.memory_space<vmem>> -> memref<4096xi32, #tpu.memory_space<vmem>>
      %dma_start3A_54 = tpu.memref_slice %arg2[%mul3A_27] : memref<106496xi32, #tpu.memory_space<hbm>> -> memref<4096xi32, #tpu.memory_space<hbm>>
      tpu.enqueue_dma source(%dma_start3A_54 : memref<4096xi32, #tpu.memory_space<hbm>>) target(%dma_start3A_53 : memref<4096xi32, #tpu.memory_space<vmem>>) target_semaphore(%run_scoped3A : memref<!tpu.dma_semaphore, #tpu.memory_space<semaphore_mem>>)
      %dma_wait3A = arith.constant 4096 : i32
      %dma_wait3A_55 = tpu.memref_slice %arg5[%dma_wait3A] : memref<8192xi32, #tpu.memory_space<vmem>> -> memref<4096xi32, #tpu.memory_space<vmem>>
      %dma_wait3A_56 = tpu.memref_slice %arg2[%mul3A_27] : memref<106496xi32, #tpu.memory_space<hbm>> -> memref<4096xi32, #tpu.memory_space<hbm>>
      %dma_wait3A_57 = arith.constant 4096 : i32
      %dma_wait3A_58 = tpu.memref_slice %arg5[%dma_wait3A_57] : memref<8192xi32, #tpu.memory_space<vmem>> -> memref<4096xi32, #tpu.memory_space<vmem>>
      %dma_wait3A_59 = tpu.memref_slice %arg2[%mul3A_27] : memref<106496xi32, #tpu.memory_space<hbm>> -> memref<4096xi32, #tpu.memory_space<hbm>>
      tpu.wait_dma2 semaphore(%run_scoped3A : memref<!tpu.dma_semaphore, #tpu.memory_space<semaphore_mem>>) src(%dma_wait3A_59 : memref<4096xi32, #tpu.memory_space<hbm>>) dst(%dma_wait3A_58 : memref<4096xi32, #tpu.memory_space<vmem>>)
      tpu.yield
    }) : () -> ()
    %scan3A = arith.constant 0 : i32
    %scan3A_28 = arith.constant 0 : i32
    %scan3A_29 = arith.constant 512 : i32
    %scan3A_30 = arith.addi %scan3A_28, %scan3A_29 : i32
    %scan3A_31 = arith.constant 1 : i32
    %scan3A_32 = scf.for %scan3A_50 = %scan3A_28 to %scan3A_30 step %scan3A_31 iter_args(%scan3A_51 = %scan3A) -> (i32)  : i32 {
      %mul3A_52 = arith.constant 16 : i32
      %mul3A_53 = arith.muli %scan3A_50, %mul3A_52 : i32
      %multiple_of3A = tpu.assume_multiple %mul3A_53, 16 : i32
      %get3A = arith.index_cast %multiple_of3A : i32 to index
      %get3A_54 = tpu.vector_load %arg5[%get3A] {strides = array<i32>} : memref<8192xi32, #tpu.memory_space<vmem>>, vector<16xi32>,
      %get3A_55 = vector.shape_cast %get3A_54 : vector<16xi32> to vector<16xi32>
      %shift_right_arithmetic3A = arith.constant 7 : i32
      %shift_right_arithmetic3A_56 = vector.broadcast %shift_right_arithmetic3A : i32 to vector<16xi32>
      %shift_right_arithmetic3A_57 = arith.shrsi %get3A_55, %shift_right_arithmetic3A_56 : vector<16xi32>
      %shift_left3A = arith.constant 10 : i32
      %shift_left3A_58 = vector.broadcast %shift_left3A : i32 to vector<16xi32>
      %shift_left3A_59 = arith.shli %shift_right_arithmetic3A_57, %shift_left3A_58 : vector<16xi32>
      %and3A_60 = arith.constant 127 : i32
      %and3A_61 = vector.broadcast %and3A_60 : i32 to vector<16xi32>
      %and3A_62 = arith.andi %get3A_55, %and3A_61 : vector<16xi32>
      %or3A = arith.ori %shift_left3A_59, %and3A_62 : vector<16xi32>
      %swap3A = arith.index_cast %multiple_of3A : i32 to index
      %swap3A_63 = tpu.vector_load %arg5[%swap3A] {strides = array<i32>} : memref<8192xi32, #tpu.memory_space<vmem>>, vector<16xi32>,
      %swap3A_64 = vector.shape_cast %swap3A_63 : vector<16xi32> to vector<16xi32>
      %swap3A_65 = vector.shape_cast %or3A : vector<16xi32> to vector<16xi32>
      tpu.vector_store %arg5[%swap3A], %swap3A_65 {strides = array<i32>} : memref<8192xi32, #tpu.memory_space<vmem>>, vector<16xi32>,
      %scan3A_66 = arith.constant 0 : i32
      scf.yield %scan3A_66 : i32
    }
    %scan3A_33 = arith.constant 512 : i32
    %scan3A_34 = arith.constant 0 : i32
    %scan3A_35 = arith.constant 0 : i32
    %scan3A_36 = arith.constant 13 : i32
    %scan3A_37 = arith.addi %scan3A_35, %scan3A_36 : i32
    %scan3A_38 = arith.constant 1 : i32
    %scan3A_39 = scf.for %scan3A_50 = %scan3A_35 to %scan3A_37 step %scan3A_38 iter_args(%scan3A_51 = %scan3A_34) -> (i32)  : i32 {
      %add3A_52 = arith.addi %mul3A_2, %scan3A_50 : i32
      %add3A_53 = arith.constant 0 : i32
      %add3A_54 = arith.addi %add3A_53, %add3A_52 : i32
      %jit3A_55 = arith.constant 32 : i32
      %div3A_56 = arith.divsi %add3A_54, %jit3A_55 : i32
      %sign3A_57 = arith.constant 0 : i32
      %sign3A_58 = arith.cmpi sgt, %add3A_54, %sign3A_57 : i32
      %sign3A_59 = arith.extui %sign3A_58 : i1 to i32
      %sign3A_60 = arith.constant 0 : i32
      %sign3A_61 = arith.cmpi slt, %add3A_54, %sign3A_60 : i32
      %sign3A_62 = arith.extui %sign3A_61 : i1 to i32
      %sign3A_63 = arith.subi %sign3A_59, %sign3A_62 : i32
      %sign3A_64 = arith.constant 0 : i32
      %sign3A_65 = arith.cmpi sgt, %jit3A_55, %sign3A_64 : i32
      %sign3A_66 = arith.extui %sign3A_65 : i1 to i32
      %sign3A_67 = arith.constant 0 : i32
      %sign3A_68 = arith.cmpi slt, %jit3A_55, %sign3A_67 : i32
      %sign3A_69 = arith.extui %sign3A_68 : i1 to i32
      %sign3A_70 = arith.subi %sign3A_66, %sign3A_69 : i32
      %ne3A_71 = arith.cmpi ne, %sign3A_63, %sign3A_70 : i32
      %rem3A_72 = arith.remsi %add3A_54, %jit3A_55 : i32
      %ne3A_73 = arith.constant 0 : i32
      %ne3A_74 = arith.cmpi ne, %rem3A_72, %ne3A_73 : i32
      %and3A_75 = arith.andi %ne3A_71, %ne3A_74 : i1
      %sub3A_76 = arith.constant 1 : i32
      %sub3A_77 = arith.subi %div3A_56, %sub3A_76 : i32
      %select_n3A_78 = arith.select %and3A_75, %sub3A_77, %div3A_56 : i32
      %sub3A_79 = arith.subi %select_n3A_78, %select_n3A : i32
      %jit3A_80 = arith.constant 8 : i32
      %div3A_81 = arith.divsi %add3A_52, %jit3A_80 : i32
      %sign3A_82 = arith.constant 0 : i32
      %sign3A_83 = arith.cmpi sgt, %add3A_52, %sign3A_82 : i32
      %sign3A_84 = arith.extui %sign3A_83 : i1 to i32
      %sign3A_85 = arith.constant 0 : i32
      %sign3A_86 = arith.cmpi slt, %add3A_52, %sign3A_85 : i32
      %sign3A_87 = arith.extui %sign3A_86 : i1 to i32
      %sign3A_88 = arith.subi %sign3A_84, %sign3A_87 : i32
      %sign3A_89 = arith.constant 0 : i32
      %sign3A_90 = arith.cmpi sgt, %jit3A_80, %sign3A_89 : i32
      %sign3A_91 = arith.extui %sign3A_90 : i1 to i32
      %sign3A_92 = arith.constant 0 : i32
      %sign3A_93 = arith.cmpi slt, %jit3A_80, %sign3A_92 : i32
      %sign3A_94 = arith.extui %sign3A_93 : i1 to i32
      %sign3A_95 = arith.subi %sign3A_91, %sign3A_94 : i32
      %ne3A_96 = arith.cmpi ne, %sign3A_88, %sign3A_95 : i32
      %rem3A_97 = arith.remsi %add3A_52, %jit3A_80 : i32
      %ne3A_98 = arith.constant 0 : i32
      %ne3A_99 = arith.cmpi ne, %rem3A_97, %ne3A_98 : i32
      %and3A_100 = arith.andi %ne3A_96, %ne3A_99 : i1
      %sub3A_101 = arith.constant 1 : i32
      %sub3A_102 = arith.subi %div3A_81, %sub3A_101 : i32
      %select_n3A_103 = arith.select %and3A_100, %sub3A_102, %div3A_81 : i32
      %mul3A_104 = arith.constant 800768 : i32
      %mul3A_105 = arith.muli %select_n3A_103, %mul3A_104 : i32
      %jit3A_106 = arith.constant 8 : i32
      %eq3A = arith.constant 0 : i32
      %eq3A_107 = arith.cmpi eq, %jit3A_106, %eq3A : i32
      %jit3A_108 = arith.constant 1 : i32
      %select_n3A_109 = arith.select %eq3A_107, %jit3A_108, %jit3A_106 : i32
      %rem3A_110 = arith.remsi %add3A_52, %select_n3A_109 : i32
      %ne3A_111 = arith.constant 0 : i32
      %ne3A_112 = arith.cmpi ne, %rem3A_110, %ne3A_111 : i32
      %lt3A = arith.constant 0 : i32
      %lt3A_113 = arith.cmpi slt, %rem3A_110, %lt3A : i32
      %lt3A_114 = arith.constant 0 : i32
      %lt3A_115 = arith.cmpi slt, %select_n3A_109, %lt3A_114 : i32
      %ne3A_116 = arith.xori %lt3A_113, %lt3A_115 : i1
      %and3A_117 = arith.andi %ne3A_116, %ne3A_112 : i1
      %add3A_118 = arith.addi %rem3A_110, %select_n3A_109 : i32
      %select_n3A_119 = arith.select %and3A_117, %add3A_118, %rem3A_110 : i32
      %mul3A_120 = arith.constant 128 : i32
      %mul3A_121 = arith.muli %select_n3A_119, %mul3A_120 : i32
      %add3A_122 = arith.addi %mul3A_105, %mul3A_121 : i32
      %multiple_of3A = tpu.assume_multiple %add3A_122, 128 : i32
      %mul3A_123 = arith.constant 4096 : i32
      %mul3A_124 = arith.muli %sub3A_79, %mul3A_123 : i32
      %mul3A_125 = arith.constant 4096 : i32
      %mul3A_126 = arith.muli %scan3A_50, %mul3A_125 : i32
      %dma_start3A = tpu.memref_slice %arg6[%mul3A_126] : memref<53248xf32, #tpu.memory_space<vmem>> -> memref<4096xf32, #tpu.memory_space<vmem>>
      %dma_start3A_127 = tpu.memref_slice %arg5[%mul3A_124] : memref<8192xi32, #tpu.memory_space<vmem>> -> memref<4096xi32, #tpu.memory_space<vmem>>
      %dma_start3A_128 = tpu.memref_slice %arg3[%multiple_of3A] : memref<41639936xf32, #tpu.memory_space<hbm>> -> memref<799872xf32, #tpu.memory_space<hbm>>
      %dma_start3A_129 = arith.constant 0 : i32
      %dma_start3A_130 = tpu.memref_slice %dma_start3A_128[%dma_start3A_129] : memref<799872xf32, #tpu.memory_space<hbm>> -> memref<799872xf32, #tpu.memory_space<hbm>>
      tpu.enqueue_indirect_dma source(%dma_start3A_130 : memref<799872xf32, #tpu.memory_space<hbm>>) target(%dma_start3A : memref<4096xf32, #tpu.memory_space<vmem>>) offsets(%dma_start3A_127 : memref<4096xi32, #tpu.memory_space<vmem>>) semaphore(%arg7 : memref<!tpu.dma_semaphore, #tpu.memory_space<semaphore_mem>>)
      %scan3A_131 = arith.constant 0 : i32
      scf.yield %scan3A_131 : i32
    }
    %scan3A_40 = arith.constant 13 : i32
    %scan3A_41 = arith.constant 0 : i32
    %scan3A_42 = arith.constant 0 : i32
    %scan3A_43 = arith.constant 13 : i32
    %scan3A_44 = arith.addi %scan3A_42, %scan3A_43 : i32
    %scan3A_45 = arith.constant 1 : i32
    %scan3A_46 = scf.for %scan3A_50 = %scan3A_42 to %scan3A_44 step %scan3A_45 iter_args(%scan3A_51 = %scan3A_41) -> (i32)  : i32 {
      %add3A_52 = arith.addi %mul3A_2, %scan3A_50 : i32
      %add3A_53 = arith.constant 0 : i32
      %add3A_54 = arith.addi %add3A_53, %add3A_52 : i32
      %jit3A_55 = arith.constant 32 : i32
      %div3A_56 = arith.divsi %add3A_54, %jit3A_55 : i32
      %sign3A_57 = arith.constant 0 : i32
      %sign3A_58 = arith.cmpi sgt, %add3A_54, %sign3A_57 : i32
      %sign3A_59 = arith.extui %sign3A_58 : i1 to i32
      %sign3A_60 = arith.constant 0 : i32
      %sign3A_61 = arith.cmpi slt, %add3A_54, %sign3A_60 : i32
      %sign3A_62 = arith.extui %sign3A_61 : i1 to i32
      %sign3A_63 = arith.subi %sign3A_59, %sign3A_62 : i32
      %sign3A_64 = arith.constant 0 : i32
      %sign3A_65 = arith.cmpi sgt, %jit3A_55, %sign3A_64 : i32
      %sign3A_66 = arith.extui %sign3A_65 : i1 to i32
      %sign3A_67 = arith.constant 0 : i32
      %sign3A_68 = arith.cmpi slt, %jit3A_55, %sign3A_67 : i32
      %sign3A_69 = arith.extui %sign3A_68 : i1 to i32
      %sign3A_70 = arith.subi %sign3A_66, %sign3A_69 : i32
      %ne3A_71 = arith.cmpi ne, %sign3A_63, %sign3A_70 : i32
      %rem3A_72 = arith.remsi %add3A_54, %jit3A_55 : i32
      %ne3A_73 = arith.constant 0 : i32
      %ne3A_74 = arith.cmpi ne, %rem3A_72, %ne3A_73 : i32
      %and3A_75 = arith.andi %ne3A_71, %ne3A_74 : i1
      %sub3A_76 = arith.constant 1 : i32
      %sub3A_77 = arith.subi %div3A_56, %sub3A_76 : i32
      %select_n3A_78 = arith.select %and3A_75, %sub3A_77, %div3A_56 : i32
      %sub3A_79 = arith.subi %select_n3A_78, %select_n3A : i32
      %jit3A_80 = arith.constant 8 : i32
      %div3A_81 = arith.divsi %add3A_52, %jit3A_80 : i32
      %sign3A_82 = arith.constant 0 : i32
      %sign3A_83 = arith.cmpi sgt, %add3A_52, %sign3A_82 : i32
      %sign3A_84 = arith.extui %sign3A_83 : i1 to i32
      %sign3A_85 = arith.constant 0 : i32
      %sign3A_86 = arith.cmpi slt, %add3A_52, %sign3A_85 : i32
      %sign3A_87 = arith.extui %sign3A_86 : i1 to i32
      %sign3A_88 = arith.subi %sign3A_84, %sign3A_87 : i32
      %sign3A_89 = arith.constant 0 : i32
      %sign3A_90 = arith.cmpi sgt, %jit3A_80, %sign3A_89 : i32
      %sign3A_91 = arith.extui %sign3A_90 : i1 to i32
      %sign3A_92 = arith.constant 0 : i32
      %sign3A_93 = arith.cmpi slt, %jit3A_80, %sign3A_92 : i32
      %sign3A_94 = arith.extui %sign3A_93 : i1 to i32
      %sign3A_95 = arith.subi %sign3A_91, %sign3A_94 : i32
      %ne3A_96 = arith.cmpi ne, %sign3A_88, %sign3A_95 : i32
      %rem3A_97 = arith.remsi %add3A_52, %jit3A_80 : i32
      %ne3A_98 = arith.constant 0 : i32
      %ne3A_99 = arith.cmpi ne, %rem3A_97, %ne3A_98 : i32
      %and3A_100 = arith.andi %ne3A_96, %ne3A_99 : i1
      %sub3A_101 = arith.constant 1 : i32
      %sub3A_102 = arith.subi %div3A_81, %sub3A_101 : i32
      %select_n3A_103 = arith.select %and3A_100, %sub3A_102, %div3A_81 : i32
      %mul3A_104 = arith.constant 800768 : i32
      %mul3A_105 = arith.muli %select_n3A_103, %mul3A_104 : i32
      %jit3A_106 = arith.constant 8 : i32
      %eq3A = arith.constant 0 : i32
      %eq3A_107 = arith.cmpi eq, %jit3A_106, %eq3A : i32
      %jit3A_108 = arith.constant 1 : i32
      %select_n3A_109 = arith.select %eq3A_107, %jit3A_108, %jit3A_106 : i32
      %rem3A_110 = arith.remsi %add3A_52, %select_n3A_109 : i32
      %ne3A_111 = arith.constant 0 : i32
      %ne3A_112 = arith.cmpi ne, %rem3A_110, %ne3A_111 : i32
      %lt3A = arith.constant 0 : i32
      %lt3A_113 = arith.cmpi slt, %rem3A_110, %lt3A : i32
      %lt3A_114 = arith.constant 0 : i32
      %lt3A_115 = arith.cmpi slt, %select_n3A_109, %lt3A_114 : i32
      %ne3A_116 = arith.xori %lt3A_113, %lt3A_115 : i1
      %and3A_117 = arith.andi %ne3A_116, %ne3A_112 : i1
      %add3A_118 = arith.addi %rem3A_110, %select_n3A_109 : i32
      %select_n3A_119 = arith.select %and3A_117, %add3A_118, %rem3A_110 : i32
      %mul3A_120 = arith.constant 128 : i32
      %mul3A_121 = arith.muli %select_n3A_119, %mul3A_120 : i32
      %add3A_122 = arith.addi %mul3A_105, %mul3A_121 : i32
      %multiple_of3A = tpu.assume_multiple %add3A_122, 128 : i32
      %mul3A_123 = arith.constant 4096 : i32
      %mul3A_124 = arith.muli %sub3A_79, %mul3A_123 : i32
      %mul3A_125 = arith.constant 4096 : i32
      %mul3A_126 = arith.muli %scan3A_50, %mul3A_125 : i32
      %dma_wait3A = tpu.memref_slice %arg6[%mul3A_126] : memref<53248xf32, #tpu.memory_space<vmem>> -> memref<4096xf32, #tpu.memory_space<vmem>>
      %dma_wait3A_127 = tpu.memref_slice %arg5[%mul3A_124] : memref<8192xi32, #tpu.memory_space<vmem>> -> memref<4096xi32, #tpu.memory_space<vmem>>
      %dma_wait3A_128 = tpu.memref_slice %arg3[%multiple_of3A] : memref<41639936xf32, #tpu.memory_space<hbm>> -> memref<799872xf32, #tpu.memory_space<hbm>>
      %dma_wait3A_129 = arith.constant 0 : i32
      %dma_wait3A_130 = tpu.memref_slice %dma_wait3A_128[%dma_wait3A_129] : memref<799872xf32, #tpu.memory_space<hbm>> -> memref<799872xf32, #tpu.memory_space<hbm>>
      tpu.wait_indirect_dma semaphore(%arg7 : memref<!tpu.dma_semaphore, #tpu.memory_space<semaphore_mem>>) src(%dma_wait3A_130 : memref<799872xf32, #tpu.memory_space<hbm>>) dst(%dma_wait3A : memref<4096xf32, #tpu.memory_space<vmem>>)
      %scan3A_131 = arith.constant 0 : i32
      scf.yield %scan3A_131 : i32
    }
    %scan3A_47 = arith.constant 13 : i32
    %mul3A_48 = arith.constant 4096 : i32
    %mul3A_49 = arith.muli %mul3A_2, %mul3A_48 : i32
    "tpu.region"() ({
      %run_scoped3A = tpu.sem_alloc : memref<!tpu.dma_semaphore, #tpu.memory_space<semaphore_mem>>
      %dma_start3A = tpu.memref_slice %arg4[%mul3A_49] : memref<1703936xf32, #tpu.memory_space<hbm>> -> memref<53248xf32, #tpu.memory_space<hbm>>
      %dma_start3A_50 = tpu.memref_slice %arg4[%mul3A_49] : memref<1703936xf32, #tpu.memory_space<hbm>> -> memref<53248xf32, #tpu.memory_space<hbm>>
      tpu.enqueue_dma source(%arg6 : memref<53248xf32, #tpu.memory_space<vmem>>) target(%dma_start3A_50 : memref<53248xf32, #tpu.memory_space<hbm>>) target_semaphore(%run_scoped3A : memref<!tpu.dma_semaphore, #tpu.memory_space<semaphore_mem>>)
      %dma_wait3A = tpu.memref_slice %arg4[%mul3A_49] : memref<1703936xf32, #tpu.memory_space<hbm>> -> memref<53248xf32, #tpu.memory_space<hbm>>
      %dma_wait3A_51 = tpu.memref_slice %arg4[%mul3A_49] : memref<1703936xf32, #tpu.memory_space<hbm>> -> memref<53248xf32, #tpu.memory_space<hbm>>
      tpu.wait_dma2 semaphore(%run_scoped3A : memref<!tpu.dma_semaphore, #tpu.memory_space<semaphore_mem>>) src(%arg6 : memref<53248xf32, #tpu.memory_space<vmem>>) dst(%dma_wait3A_51 : memref<53248xf32, #tpu.memory_space<hbm>>)
      tpu.yield
    }) : () -> ()
    return
  }
}

#map = affine_map<(d0, d1) -> (0)>
module attributes {stable_mosaic.version = 14 : i64} {
  func.func @_gather_chunk(%arg0: i32, %arg1: i32, %arg2: memref<106496xi32, #tpu.memory_space<hbm>>, %arg3: memref<41639936xf32, #tpu.memory_space<hbm>>, %arg4: memref<1703936xf32, #tpu.memory_space<hbm>>, %arg5: memref<8192xi32, #tpu.memory_space<vmem>>, %arg6: memref<53248xf32, #tpu.memory_space<vmem>>, %arg7: memref<!tpu.dma_semaphore, #tpu.memory_space<semaphore_mem>>) attributes {dimension_semantics = [#tpu.dimension_semantics<core_parallel>, #tpu.dimension_semantics<subcore_parallel>], iteration_bounds = array<i64: 2, 16>, scalar_prefetch = 0 : i64, scratch_operands = 3 : i64, tpu.core_type = #tpu.core_type<sc_vector_subcore>, window_params = [{transform_indices = #map}, {transform_indices = #map}, {transform_indices = #map}]} {
    %mul3A = arith.constant 2 : i32
    %mul3A_0 = arith.muli %arg1, %mul3A : i32
    %add3A = arith.addi %mul3A_0, %arg0 : i32
    %mul3A_1 = arith.constant 13 : i32
    %mul3A_2 = arith.muli %add3A, %mul3A_1 : i32
    %add3A_3 = arith.constant 416 : i32
    %add3A_4 = arith.addi %add3A_3, %mul3A_2 : i32
    %jit3A = arith.constant 32 : i32
    %div3A = arith.divsi %add3A_4, %jit3A : i32
    %sign3A = arith.constant 0 : i32
    %sign3A_5 = arith.cmpi sgt, %add3A_4, %sign3A : i32
    %sign3A_6 = arith.extui %sign3A_5 : i1 to i32
    %sign3A_7 = arith.constant 0 : i32
    %sign3A_8 = arith.cmpi slt, %add3A_4, %sign3A_7 : i32
    %sign3A_9 = arith.extui %sign3A_8 : i1 to i32
    %sign3A_10 = arith.subi %sign3A_6, %sign3A_9 : i32
    %sign3A_11 = arith.constant 0 : i32
    %sign3A_12 = arith.cmpi sgt, %jit3A, %sign3A_11 : i32
    %sign3A_13 = arith.extui %sign3A_12 : i1 to i32
    %sign3A_14 = arith.constant 0 : i32
    %sign3A_15 = arith.cmpi slt, %jit3A, %sign3A_14 : i32
    %sign3A_16 = arith.extui %sign3A_15 : i1 to i32
    %sign3A_17 = arith.subi %sign3A_13, %sign3A_16 : i32
    %ne3A = arith.cmpi ne, %sign3A_10, %sign3A_17 : i32
    %rem3A = arith.remsi %add3A_4, %jit3A : i32
    %ne3A_18 = arith.constant 0 : i32
    %ne3A_19 = arith.cmpi ne, %rem3A, %ne3A_18 : i32
    %and3A = arith.andi %ne3A, %ne3A_19 : i1
    %sub3A = arith.constant 1 : i32
    %sub3A_20 = arith.subi %div3A, %sub3A : i32
    %select_n3A = arith.select %and3A, %sub3A_20, %div3A : i32
    %add3A_21 = arith.constant 1 : i32
    %add3A_22 = arith.addi %select_n3A, %add3A_21 : i32
    %min3A = arith.constant 25 : i32
    %min3A_23 = arith.minsi %add3A_22, %min3A : i32
    %mul3A_24 = arith.constant 4096 : i32
    %mul3A_25 = arith.muli %select_n3A, %mul3A_24 : i32
    "tpu.region"() ({
      %run_scoped3A = tpu.sem_alloc : memref<!tpu.dma_semaphore, #tpu.memory_space<semaphore_mem>>
      %dma_start3A = arith.constant 0 : i32
      %dma_start3A_50 = tpu.memref_slice %arg5[%dma_start3A] : memref<8192xi32, #tpu.memory_space<vmem>> -> memref<4096xi32, #tpu.memory_space<vmem>>
      %dma_start3A_51 = tpu.memref_slice %arg2[%mul3A_25] : memref<106496xi32, #tpu.memory_space<hbm>> -> memref<4096xi32, #tpu.memory_space<hbm>>
      %dma_start3A_52 = arith.constant 0 : i32
      %dma_start3A_53 = tpu.memref_slice %arg5[%dma_start3A_52] : memref<8192xi32, #tpu.memory_space<vmem>> -> memref<4096xi32, #tpu.memory_space<vmem>>
      %dma_start3A_54 = tpu.memref_slice %arg2[%mul3A_25] : memref<106496xi32, #tpu.memory_space<hbm>> -> memref<4096xi32, #tpu.memory_space<hbm>>
      tpu.enqueue_dma source(%dma_start3A_54 : memref<4096xi32, #tpu.memory_space<hbm>>) target(%dma_start3A_53 : memref<4096xi32, #tpu.memory_space<vmem>>) target_semaphore(%run_scoped3A : memref<!tpu.dma_semaphore, #tpu.memory_space<semaphore_mem>>)
      %dma_wait3A = arith.constant 0 : i32
      %dma_wait3A_55 = tpu.memref_slice %arg5[%dma_wait3A] : memref<8192xi32, #tpu.memory_space<vmem>> -> memref<4096xi32, #tpu.memory_space<vmem>>
      %dma_wait3A_56 = tpu.memref_slice %arg2[%mul3A_25] : memref<106496xi32, #tpu.memory_space<hbm>> -> memref<4096xi32, #tpu.memory_space<hbm>>
      %dma_wait3A_57 = arith.constant 0 : i32
      %dma_wait3A_58 = tpu.memref_slice %arg5[%dma_wait3A_57] : memref<8192xi32, #tpu.memory_space<vmem>> -> memref<4096xi32, #tpu.memory_space<vmem>>
      %dma_wait3A_59 = tpu.memref_slice %arg2[%mul3A_25] : memref<106496xi32, #tpu.memory_space<hbm>> -> memref<4096xi32, #tpu.memory_space<hbm>>
      tpu.wait_dma2 semaphore(%run_scoped3A : memref<!tpu.dma_semaphore, #tpu.memory_space<semaphore_mem>>) src(%dma_wait3A_59 : memref<4096xi32, #tpu.memory_space<hbm>>) dst(%dma_wait3A_58 : memref<4096xi32, #tpu.memory_space<vmem>>)
      tpu.yield
    }) : () -> ()
    %mul3A_26 = arith.constant 4096 : i32
    %mul3A_27 = arith.muli %min3A_23, %mul3A_26 : i32
    "tpu.region"() ({
      %run_scoped3A = tpu.sem_alloc : memref<!tpu.dma_semaphore, #tpu.memory_space<semaphore_mem>>
      %dma_start3A = arith.constant 4096 : i32
      %dma_start3A_50 = tpu.memref_slice %arg5[%dma_start3A] : memref<8192xi32, #tpu.memory_space<vmem>> -> memref<4096xi32, #tpu.memory_space<vmem>>
      %dma_start3A_51 = tpu.memref_slice %arg2[%mul3A_27] : memref<106496xi32, #tpu.memory_space<hbm>> -> memref<4096xi32, #tpu.memory_space<hbm>>
      %dma_start3A_52 = arith.constant 4096 : i32
      %dma_start3A_53 = tpu.memref_slice %arg5[%dma_start3A_52] : memref<8192xi32, #tpu.memory_space<vmem>> -> memref<4096xi32, #tpu.memory_space<vmem>>
      %dma_start3A_54 = tpu.memref_slice %arg2[%mul3A_27] : memref<106496xi32, #tpu.memory_space<hbm>> -> memref<4096xi32, #tpu.memory_space<hbm>>
      tpu.enqueue_dma source(%dma_start3A_54 : memref<4096xi32, #tpu.memory_space<hbm>>) target(%dma_start3A_53 : memref<4096xi32, #tpu.memory_space<vmem>>) target_semaphore(%run_scoped3A : memref<!tpu.dma_semaphore, #tpu.memory_space<semaphore_mem>>)
      %dma_wait3A = arith.constant 4096 : i32
      %dma_wait3A_55 = tpu.memref_slice %arg5[%dma_wait3A] : memref<8192xi32, #tpu.memory_space<vmem>> -> memref<4096xi32, #tpu.memory_space<vmem>>
      %dma_wait3A_56 = tpu.memref_slice %arg2[%mul3A_27] : memref<106496xi32, #tpu.memory_space<hbm>> -> memref<4096xi32, #tpu.memory_space<hbm>>
      %dma_wait3A_57 = arith.constant 4096 : i32
      %dma_wait3A_58 = tpu.memref_slice %arg5[%dma_wait3A_57] : memref<8192xi32, #tpu.memory_space<vmem>> -> memref<4096xi32, #tpu.memory_space<vmem>>
      %dma_wait3A_59 = tpu.memref_slice %arg2[%mul3A_27] : memref<106496xi32, #tpu.memory_space<hbm>> -> memref<4096xi32, #tpu.memory_space<hbm>>
      tpu.wait_dma2 semaphore(%run_scoped3A : memref<!tpu.dma_semaphore, #tpu.memory_space<semaphore_mem>>) src(%dma_wait3A_59 : memref<4096xi32, #tpu.memory_space<hbm>>) dst(%dma_wait3A_58 : memref<4096xi32, #tpu.memory_space<vmem>>)
      tpu.yield
    }) : () -> ()
    %scan3A = arith.constant 0 : i32
    %scan3A_28 = arith.constant 0 : i32
    %scan3A_29 = arith.constant 512 : i32
    %scan3A_30 = arith.addi %scan3A_28, %scan3A_29 : i32
    %scan3A_31 = arith.constant 1 : i32
    %scan3A_32 = scf.for %scan3A_50 = %scan3A_28 to %scan3A_30 step %scan3A_31 iter_args(%scan3A_51 = %scan3A) -> (i32)  : i32 {
      %mul3A_52 = arith.constant 16 : i32
      %mul3A_53 = arith.muli %scan3A_50, %mul3A_52 : i32
      %multiple_of3A = tpu.assume_multiple %mul3A_53, 16 : i32
      %get3A = arith.index_cast %multiple_of3A : i32 to index
      %get3A_54 = tpu.vector_load %arg5[%get3A] {strides = array<i32>} : memref<8192xi32, #tpu.memory_space<vmem>>, vector<16xi32>,
      %get3A_55 = vector.shape_cast %get3A_54 : vector<16xi32> to vector<16xi32>
      %shift_right_arithmetic3A = arith.constant 7 : i32
      %shift_right_arithmetic3A_56 = vector.broadcast %shift_right_arithmetic3A : i32 to vector<16xi32>
      %shift_right_arithmetic3A_57 = arith.shrsi %get3A_55, %shift_right_arithmetic3A_56 : vector<16xi32>
      %shift_left3A = arith.constant 10 : i32
      %shift_left3A_58 = vector.broadcast %shift_left3A : i32 to vector<16xi32>
      %shift_left3A_59 = arith.shli %shift_right_arithmetic3A_57, %shift_left3A_58 : vector<16xi32>
      %and3A_60 = arith.constant 127 : i32
      %and3A_61 = vector.broadcast %and3A_60 : i32 to vector<16xi32>
      %and3A_62 = arith.andi %get3A_55, %and3A_61 : vector<16xi32>
      %or3A = arith.ori %shift_left3A_59, %and3A_62 : vector<16xi32>
      %swap3A = arith.index_cast %multiple_of3A : i32 to index
      %swap3A_63 = tpu.vector_load %arg5[%swap3A] {strides = array<i32>} : memref<8192xi32, #tpu.memory_space<vmem>>, vector<16xi32>,
      %swap3A_64 = vector.shape_cast %swap3A_63 : vector<16xi32> to vector<16xi32>
      %swap3A_65 = vector.shape_cast %or3A : vector<16xi32> to vector<16xi32>
      tpu.vector_store %arg5[%swap3A], %swap3A_65 {strides = array<i32>} : memref<8192xi32, #tpu.memory_space<vmem>>, vector<16xi32>,
      %scan3A_66 = arith.constant 0 : i32
      scf.yield %scan3A_66 : i32
    }
    %scan3A_33 = arith.constant 512 : i32
    %scan3A_34 = arith.constant 0 : i32
    %scan3A_35 = arith.constant 0 : i32
    %scan3A_36 = arith.constant 13 : i32
    %scan3A_37 = arith.addi %scan3A_35, %scan3A_36 : i32
    %scan3A_38 = arith.constant 1 : i32
    %scan3A_39 = scf.for %scan3A_50 = %scan3A_35 to %scan3A_37 step %scan3A_38 iter_args(%scan3A_51 = %scan3A_34) -> (i32)  : i32 {
      %add3A_52 = arith.addi %mul3A_2, %scan3A_50 : i32
      %add3A_53 = arith.constant 416 : i32
      %add3A_54 = arith.addi %add3A_53, %add3A_52 : i32
      %jit3A_55 = arith.constant 32 : i32
      %div3A_56 = arith.divsi %add3A_54, %jit3A_55 : i32
      %sign3A_57 = arith.constant 0 : i32
      %sign3A_58 = arith.cmpi sgt, %add3A_54, %sign3A_57 : i32
      %sign3A_59 = arith.extui %sign3A_58 : i1 to i32
      %sign3A_60 = arith.constant 0 : i32
      %sign3A_61 = arith.cmpi slt, %add3A_54, %sign3A_60 : i32
      %sign3A_62 = arith.extui %sign3A_61 : i1 to i32
      %sign3A_63 = arith.subi %sign3A_59, %sign3A_62 : i32
      %sign3A_64 = arith.constant 0 : i32
      %sign3A_65 = arith.cmpi sgt, %jit3A_55, %sign3A_64 : i32
      %sign3A_66 = arith.extui %sign3A_65 : i1 to i32
      %sign3A_67 = arith.constant 0 : i32
      %sign3A_68 = arith.cmpi slt, %jit3A_55, %sign3A_67 : i32
      %sign3A_69 = arith.extui %sign3A_68 : i1 to i32
      %sign3A_70 = arith.subi %sign3A_66, %sign3A_69 : i32
      %ne3A_71 = arith.cmpi ne, %sign3A_63, %sign3A_70 : i32
      %rem3A_72 = arith.remsi %add3A_54, %jit3A_55 : i32
      %ne3A_73 = arith.constant 0 : i32
      %ne3A_74 = arith.cmpi ne, %rem3A_72, %ne3A_73 : i32
      %and3A_75 = arith.andi %ne3A_71, %ne3A_74 : i1
      %sub3A_76 = arith.constant 1 : i32
      %sub3A_77 = arith.subi %div3A_56, %sub3A_76 : i32
      %select_n3A_78 = arith.select %and3A_75, %sub3A_77, %div3A_56 : i32
      %sub3A_79 = arith.subi %select_n3A_78, %select_n3A : i32
      %jit3A_80 = arith.constant 8 : i32
      %div3A_81 = arith.divsi %add3A_52, %jit3A_80 : i32
      %sign3A_82 = arith.constant 0 : i32
      %sign3A_83 = arith.cmpi sgt, %add3A_52, %sign3A_82 : i32
      %sign3A_84 = arith.extui %sign3A_83 : i1 to i32
      %sign3A_85 = arith.constant 0 : i32
      %sign3A_86 = arith.cmpi slt, %add3A_52, %sign3A_85 : i32
      %sign3A_87 = arith.extui %sign3A_86 : i1 to i32
      %sign3A_88 = arith.subi %sign3A_84, %sign3A_87 : i32
      %sign3A_89 = arith.constant 0 : i32
      %sign3A_90 = arith.cmpi sgt, %jit3A_80, %sign3A_89 : i32
      %sign3A_91 = arith.extui %sign3A_90 : i1 to i32
      %sign3A_92 = arith.constant 0 : i32
      %sign3A_93 = arith.cmpi slt, %jit3A_80, %sign3A_92 : i32
      %sign3A_94 = arith.extui %sign3A_93 : i1 to i32
      %sign3A_95 = arith.subi %sign3A_91, %sign3A_94 : i32
      %ne3A_96 = arith.cmpi ne, %sign3A_88, %sign3A_95 : i32
      %rem3A_97 = arith.remsi %add3A_52, %jit3A_80 : i32
      %ne3A_98 = arith.constant 0 : i32
      %ne3A_99 = arith.cmpi ne, %rem3A_97, %ne3A_98 : i32
      %and3A_100 = arith.andi %ne3A_96, %ne3A_99 : i1
      %sub3A_101 = arith.constant 1 : i32
      %sub3A_102 = arith.subi %div3A_81, %sub3A_101 : i32
      %select_n3A_103 = arith.select %and3A_100, %sub3A_102, %div3A_81 : i32
      %mul3A_104 = arith.constant 800768 : i32
      %mul3A_105 = arith.muli %select_n3A_103, %mul3A_104 : i32
      %jit3A_106 = arith.constant 8 : i32
      %eq3A = arith.constant 0 : i32
      %eq3A_107 = arith.cmpi eq, %jit3A_106, %eq3A : i32
      %jit3A_108 = arith.constant 1 : i32
      %select_n3A_109 = arith.select %eq3A_107, %jit3A_108, %jit3A_106 : i32
      %rem3A_110 = arith.remsi %add3A_52, %select_n3A_109 : i32
      %ne3A_111 = arith.constant 0 : i32
      %ne3A_112 = arith.cmpi ne, %rem3A_110, %ne3A_111 : i32
      %lt3A = arith.constant 0 : i32
      %lt3A_113 = arith.cmpi slt, %rem3A_110, %lt3A : i32
      %lt3A_114 = arith.constant 0 : i32
      %lt3A_115 = arith.cmpi slt, %select_n3A_109, %lt3A_114 : i32
      %ne3A_116 = arith.xori %lt3A_113, %lt3A_115 : i1
      %and3A_117 = arith.andi %ne3A_116, %ne3A_112 : i1
      %add3A_118 = arith.addi %rem3A_110, %select_n3A_109 : i32
      %select_n3A_119 = arith.select %and3A_117, %add3A_118, %rem3A_110 : i32
      %mul3A_120 = arith.constant 128 : i32
      %mul3A_121 = arith.muli %select_n3A_119, %mul3A_120 : i32
      %add3A_122 = arith.addi %mul3A_105, %mul3A_121 : i32
      %multiple_of3A = tpu.assume_multiple %add3A_122, 128 : i32
      %mul3A_123 = arith.constant 4096 : i32
      %mul3A_124 = arith.muli %sub3A_79, %mul3A_123 : i32
      %mul3A_125 = arith.constant 4096 : i32
      %mul3A_126 = arith.muli %scan3A_50, %mul3A_125 : i32
      %dma_start3A = tpu.memref_slice %arg6[%mul3A_126] : memref<53248xf32, #tpu.memory_space<vmem>> -> memref<4096xf32, #tpu.memory_space<vmem>>
      %dma_start3A_127 = tpu.memref_slice %arg5[%mul3A_124] : memref<8192xi32, #tpu.memory_space<vmem>> -> memref<4096xi32, #tpu.memory_space<vmem>>
      %dma_start3A_128 = tpu.memref_slice %arg3[%multiple_of3A] : memref<41639936xf32, #tpu.memory_space<hbm>> -> memref<799872xf32, #tpu.memory_space<hbm>>
      %dma_start3A_129 = arith.constant 0 : i32
      %dma_start3A_130 = tpu.memref_slice %dma_start3A_128[%dma_start3A_129] : memref<799872xf32, #tpu.memory_space<hbm>> -> memref<799872xf32, #tpu.memory_space<hbm>>
      tpu.enqueue_indirect_dma source(%dma_start3A_130 : memref<799872xf32, #tpu.memory_space<hbm>>) target(%dma_start3A : memref<4096xf32, #tpu.memory_space<vmem>>) offsets(%dma_start3A_127 : memref<4096xi32, #tpu.memory_space<vmem>>) semaphore(%arg7 : memref<!tpu.dma_semaphore, #tpu.memory_space<semaphore_mem>>)
      %scan3A_131 = arith.constant 0 : i32
      scf.yield %scan3A_131 : i32
    }
    %scan3A_40 = arith.constant 13 : i32
    %scan3A_41 = arith.constant 0 : i32
    %scan3A_42 = arith.constant 0 : i32
    %scan3A_43 = arith.constant 13 : i32
    %scan3A_44 = arith.addi %scan3A_42, %scan3A_43 : i32
    %scan3A_45 = arith.constant 1 : i32
    %scan3A_46 = scf.for %scan3A_50 = %scan3A_42 to %scan3A_44 step %scan3A_45 iter_args(%scan3A_51 = %scan3A_41) -> (i32)  : i32 {
      %add3A_52 = arith.addi %mul3A_2, %scan3A_50 : i32
      %add3A_53 = arith.constant 416 : i32
      %add3A_54 = arith.addi %add3A_53, %add3A_52 : i32
      %jit3A_55 = arith.constant 32 : i32
      %div3A_56 = arith.divsi %add3A_54, %jit3A_55 : i32
      %sign3A_57 = arith.constant 0 : i32
      %sign3A_58 = arith.cmpi sgt, %add3A_54, %sign3A_57 : i32
      %sign3A_59 = arith.extui %sign3A_58 : i1 to i32
      %sign3A_60 = arith.constant 0 : i32
      %sign3A_61 = arith.cmpi slt, %add3A_54, %sign3A_60 : i32
      %sign3A_62 = arith.extui %sign3A_61 : i1 to i32
      %sign3A_63 = arith.subi %sign3A_59, %sign3A_62 : i32
      %sign3A_64 = arith.constant 0 : i32
      %sign3A_65 = arith.cmpi sgt, %jit3A_55, %sign3A_64 : i32
      %sign3A_66 = arith.extui %sign3A_65 : i1 to i32
      %sign3A_67 = arith.constant 0 : i32
      %sign3A_68 = arith.cmpi slt, %jit3A_55, %sign3A_67 : i32
      %sign3A_69 = arith.extui %sign3A_68 : i1 to i32
      %sign3A_70 = arith.subi %sign3A_66, %sign3A_69 : i32
      %ne3A_71 = arith.cmpi ne, %sign3A_63, %sign3A_70 : i32
      %rem3A_72 = arith.remsi %add3A_54, %jit3A_55 : i32
      %ne3A_73 = arith.constant 0 : i32
      %ne3A_74 = arith.cmpi ne, %rem3A_72, %ne3A_73 : i32
      %and3A_75 = arith.andi %ne3A_71, %ne3A_74 : i1
      %sub3A_76 = arith.constant 1 : i32
      %sub3A_77 = arith.subi %div3A_56, %sub3A_76 : i32
      %select_n3A_78 = arith.select %and3A_75, %sub3A_77, %div3A_56 : i32
      %sub3A_79 = arith.subi %select_n3A_78, %select_n3A : i32
      %jit3A_80 = arith.constant 8 : i32
      %div3A_81 = arith.divsi %add3A_52, %jit3A_80 : i32
      %sign3A_82 = arith.constant 0 : i32
      %sign3A_83 = arith.cmpi sgt, %add3A_52, %sign3A_82 : i32
      %sign3A_84 = arith.extui %sign3A_83 : i1 to i32
      %sign3A_85 = arith.constant 0 : i32
      %sign3A_86 = arith.cmpi slt, %add3A_52, %sign3A_85 : i32
      %sign3A_87 = arith.extui %sign3A_86 : i1 to i32
      %sign3A_88 = arith.subi %sign3A_84, %sign3A_87 : i32
      %sign3A_89 = arith.constant 0 : i32
      %sign3A_90 = arith.cmpi sgt, %jit3A_80, %sign3A_89 : i32
      %sign3A_91 = arith.extui %sign3A_90 : i1 to i32
      %sign3A_92 = arith.constant 0 : i32
      %sign3A_93 = arith.cmpi slt, %jit3A_80, %sign3A_92 : i32
      %sign3A_94 = arith.extui %sign3A_93 : i1 to i32
      %sign3A_95 = arith.subi %sign3A_91, %sign3A_94 : i32
      %ne3A_96 = arith.cmpi ne, %sign3A_88, %sign3A_95 : i32
      %rem3A_97 = arith.remsi %add3A_52, %jit3A_80 : i32
      %ne3A_98 = arith.constant 0 : i32
      %ne3A_99 = arith.cmpi ne, %rem3A_97, %ne3A_98 : i32
      %and3A_100 = arith.andi %ne3A_96, %ne3A_99 : i1
      %sub3A_101 = arith.constant 1 : i32
      %sub3A_102 = arith.subi %div3A_81, %sub3A_101 : i32
      %select_n3A_103 = arith.select %and3A_100, %sub3A_102, %div3A_81 : i32
      %mul3A_104 = arith.constant 800768 : i32
      %mul3A_105 = arith.muli %select_n3A_103, %mul3A_104 : i32
      %jit3A_106 = arith.constant 8 : i32
      %eq3A = arith.constant 0 : i32
      %eq3A_107 = arith.cmpi eq, %jit3A_106, %eq3A : i32
      %jit3A_108 = arith.constant 1 : i32
      %select_n3A_109 = arith.select %eq3A_107, %jit3A_108, %jit3A_106 : i32
      %rem3A_110 = arith.remsi %add3A_52, %select_n3A_109 : i32
      %ne3A_111 = arith.constant 0 : i32
      %ne3A_112 = arith.cmpi ne, %rem3A_110, %ne3A_111 : i32
      %lt3A = arith.constant 0 : i32
      %lt3A_113 = arith.cmpi slt, %rem3A_110, %lt3A : i32
      %lt3A_114 = arith.constant 0 : i32
      %lt3A_115 = arith.cmpi slt, %select_n3A_109, %lt3A_114 : i32
      %ne3A_116 = arith.xori %lt3A_113, %lt3A_115 : i1
      %and3A_117 = arith.andi %ne3A_116, %ne3A_112 : i1
      %add3A_118 = arith.addi %rem3A_110, %select_n3A_109 : i32
      %select_n3A_119 = arith.select %and3A_117, %add3A_118, %rem3A_110 : i32
      %mul3A_120 = arith.constant 128 : i32
      %mul3A_121 = arith.muli %select_n3A_119, %mul3A_120 : i32
      %add3A_122 = arith.addi %mul3A_105, %mul3A_121 : i32
      %multiple_of3A = tpu.assume_multiple %add3A_122, 128 : i32
      %mul3A_123 = arith.constant 4096 : i32
      %mul3A_124 = arith.muli %sub3A_79, %mul3A_123 : i32
      %mul3A_125 = arith.constant 4096 : i32
      %mul3A_126 = arith.muli %scan3A_50, %mul3A_125 : i32
      %dma_wait3A = tpu.memref_slice %arg6[%mul3A_126] : memref<53248xf32, #tpu.memory_space<vmem>> -> memref<4096xf32, #tpu.memory_space<vmem>>
      %dma_wait3A_127 = tpu.memref_slice %arg5[%mul3A_124] : memref<8192xi32, #tpu.memory_space<vmem>> -> memref<4096xi32, #tpu.memory_space<vmem>>
      %dma_wait3A_128 = tpu.memref_slice %arg3[%multiple_of3A] : memref<41639936xf32, #tpu.memory_space<hbm>> -> memref<799872xf32, #tpu.memory_space<hbm>>
      %dma_wait3A_129 = arith.constant 0 : i32
      %dma_wait3A_130 = tpu.memref_slice %dma_wait3A_128[%dma_wait3A_129] : memref<799872xf32, #tpu.memory_space<hbm>> -> memref<799872xf32, #tpu.memory_space<hbm>>
      tpu.wait_indirect_dma semaphore(%arg7 : memref<!tpu.dma_semaphore, #tpu.memory_space<semaphore_mem>>) src(%dma_wait3A_130 : memref<799872xf32, #tpu.memory_space<hbm>>) dst(%dma_wait3A : memref<4096xf32, #tpu.memory_space<vmem>>)
      %scan3A_131 = arith.constant 0 : i32
      scf.yield %scan3A_131 : i32
    }
    %scan3A_47 = arith.constant 13 : i32
    %mul3A_48 = arith.constant 4096 : i32
    %mul3A_49 = arith.muli %mul3A_2, %mul3A_48 : i32
    "tpu.region"() ({
      %run_scoped3A = tpu.sem_alloc : memref<!tpu.dma_semaphore, #tpu.memory_space<semaphore_mem>>
      %dma_start3A = tpu.memref_slice %arg4[%mul3A_49] : memref<1703936xf32, #tpu.memory_space<hbm>> -> memref<53248xf32, #tpu.memory_space<hbm>>
      %dma_start3A_50 = tpu.memref_slice %arg4[%mul3A_49] : memref<1703936xf32, #tpu.memory_space<hbm>> -> memref<53248xf32, #tpu.memory_space<hbm>>
      tpu.enqueue_dma source(%arg6 : memref<53248xf32, #tpu.memory_space<vmem>>) target(%dma_start3A_50 : memref<53248xf32, #tpu.memory_space<hbm>>) target_semaphore(%run_scoped3A : memref<!tpu.dma_semaphore, #tpu.memory_space<semaphore_mem>>)
      %dma_wait3A = tpu.memref_slice %arg4[%mul3A_49] : memref<1703936xf32, #tpu.memory_space<hbm>> -> memref<53248xf32, #tpu.memory_space<hbm>>
      %dma_wait3A_51 = tpu.memref_slice %arg4[%mul3A_49] : memref<1703936xf32, #tpu.memory_space<hbm>> -> memref<53248xf32, #tpu.memory_space<hbm>>
      tpu.wait_dma2 semaphore(%run_scoped3A : memref<!tpu.dma_semaphore, #tpu.memory_space<semaphore_mem>>) src(%arg6 : memref<53248xf32, #tpu.memory_space<vmem>>) dst(%dma_wait3A_51 : memref<53248xf32, #tpu.memory_space<hbm>>)
      tpu.yield
    }) : () -> ()
    return
  }
}

module attributes {stable_mosaic.version = 14 : i64} {
  func.func @_relabel_body(%arg0: i32, %arg1: memref<8x100096xf32, #tpu.memory_space<vmem>>, %arg2: memref<6256x128xf32, #tpu.memory_space<vmem>>) attributes {dimension_semantics = [#tpu.dimension_semantics<arbitrary>], iteration_bounds = array<i64: 52>, scalar_prefetch = 0 : i64, scratch_operands = 0 : i64, tpu.core_type = #tpu.core_type<tc>, window_params = [{transform_indices = @transform_0, window_bounds = array<i64: 8, 100096>}, {transform_indices = @transform_1, window_bounds = array<i64: 6256, 128>}]} {
    %get3A = arith.constant 0 : index
    %get3A_0 = arith.constant 0 : index
    %get3A_1 = vector.load %arg1[%get3A, %get3A_0] : memref<8x100096xf32, #tpu.memory_space<vmem>>, vector<8x100096xf32>
    %reshape3A = vector.shape_cast %get3A_1 : vector<8x100096xf32> to vector<8x782x128xf32>
    %transpose3A = tpu.transpose %reshape3A, [1, 0, 2] : vector<8x782x128xf32> -> vector<782x8x128xf32>
    %reshape3A_2 = vector.shape_cast %transpose3A : vector<782x8x128xf32> to vector<6256x128xf32>
    %swap3A = arith.constant 0 : index
    %swap3A_3 = arith.constant 0 : index
    %swap3A_4 = vector.load %arg2[%swap3A, %swap3A_3] : memref<6256x128xf32, #tpu.memory_space<vmem>>, vector<6256x128xf32>
    tpu.vector_store %arg2[%swap3A, %swap3A_3], %reshape3A_2 {strides = array<i32>} : memref<6256x128xf32, #tpu.memory_space<vmem>>, vector<6256x128xf32>,
    return
  }
  func.func @transform_0(%arg0: i32) -> (i32, i32) {
    %add3A = arith.constant 52 : i32
    %add3A_0 = arith.addi %arg0, %add3A : i32
    %c0_i32 = arith.constant 0 : i32
    %c0_i32_1 = arith.constant 0 : i32
    return %add3A_0, %c0_i32 : i32, i32
  }
  func.func @transform_1(%arg0: i32) -> (i32, i32) {
    %c0_i32 = arith.constant 0 : i32
    %c0_i32_0 = arith.constant 0 : i32
    return %arg0, %c0_i32 : i32, i32
  }
}

module attributes {stable_mosaic.version = 14 : i64} {
  func.func @_relabel_body(%arg0: i32, %arg1: memref<8x100096xf32, #tpu.memory_space<vmem>>, %arg2: memref<6256x128xf32, #tpu.memory_space<vmem>>) attributes {dimension_semantics = [#tpu.dimension_semantics<arbitrary>], iteration_bounds = array<i64: 52>, scalar_prefetch = 0 : i64, scratch_operands = 0 : i64, tpu.core_type = #tpu.core_type<tc>, window_params = [{transform_indices = @transform_0, window_bounds = array<i64: 8, 100096>}, {transform_indices = @transform_1, window_bounds = array<i64: 6256, 128>}]} {
    %get3A = arith.constant 0 : index
    %get3A_0 = arith.constant 0 : index
    %get3A_1 = vector.load %arg1[%get3A, %get3A_0] : memref<8x100096xf32, #tpu.memory_space<vmem>>, vector<8x100096xf32>
    %reshape3A = vector.shape_cast %get3A_1 : vector<8x100096xf32> to vector<8x782x128xf32>
    %transpose3A = tpu.transpose %reshape3A, [1, 0, 2] : vector<8x782x128xf32> -> vector<782x8x128xf32>
    %reshape3A_2 = vector.shape_cast %transpose3A : vector<782x8x128xf32> to vector<6256x128xf32>
    %swap3A = arith.constant 0 : index
    %swap3A_3 = arith.constant 0 : index
    %swap3A_4 = vector.load %arg2[%swap3A, %swap3A_3] : memref<6256x128xf32, #tpu.memory_space<vmem>>, vector<6256x128xf32>
    tpu.vector_store %arg2[%swap3A, %swap3A_3], %reshape3A_2 {strides = array<i32>} : memref<6256x128xf32, #tpu.memory_space<vmem>>, vector<6256x128xf32>,
    return
  }
  func.func @transform_0(%arg0: i32) -> (i32, i32) {
    %add3A = arith.constant 0 : i32
    %add3A_0 = arith.addi %arg0, %add3A : i32
    %c0_i32 = arith.constant 0 : i32
    %c0_i32_1 = arith.constant 0 : i32
    return %add3A_0, %c0_i32 : i32, i32
  }
  func.func @transform_1(%arg0: i32) -> (i32, i32) {
    %c0_i32 = arith.constant 0 : i32
    %c0_i32_0 = arith.constant 0 : i32
    return %arg0, %c0_i32 : i32, i32
  }
}

</mosaic_0001>

<sc_bundles>
// kernel: kernel.6.cloned.1.call-start
scs
__scs_entry_jumppad:
0x0: {  	(pc) =	sbr.rel $0x88, $3  }
0x1: {  	(tag) =	ssettag $0x0;
	lr =	simm.s32 $0x1  }
0x2: {  	[smem:$0x3F9F] =	sst lr;
	_ =	strace $0xD0000000  }
0x3: {  	_ = 	snop  }
0x4: {  	_ = 	snop  }
0x5: {  	_ = 	snop  }
0x6: {  	_ = 	snop  }
0x7: {  	_ = 	snop  }
__scs_overlays_trampoline_lowered:
0x8: {  	[smem:$0x3FAE] =	sst s0  }
0x9: {  	[smem:$0x3FAF] =	sst s1  }
0xa: {  	[smem:$0x3FB0] =	sst s2  }
0xb: {  	[smem:$0x3FB1] =	sst s3  }
0xc: {  	[smem:$0x3FB2] =	sst s4  }
0xd: {  	[smem:$0x3FB3] =	sst s5  }
0xe: {  	[smem:$0x3FB4] =	sst s6  }
0xf: {  	[smem:$0x3FB5] =	sst s7  }
0x10: {  	[smem:$0x3FB6] =	sst s8  }
0x11: {  	[smem:$0x3FB7] =	sst s9;
	s0 =	simm.s32 @!p0 $0x0  }
0x12: {  	s1 =	sld [smem:$0x3F9D];
	s0 =	simm.s32 @p0 $0x1  }
0x13: {  	[smem:$0x3FB8] =	sst s0;
	s0 =	simm.s32 @!p1 $0x0  }
0x14: {  	s2 =	sld [smem:$0x3F9C];
	s0 =	simm.s32 @p1 $0x1  }
0x15: {  	[smem:$0x3FB9] =	sst s0;
	s0 =	simm.s32 @!p2 $0x0  }
0x16: {  	s3 =	sld [smem:$0x3FDB];
	s0 =	simm.s32 @p2 $0x1  }
0x17: {  	s4 =	simm.s32 $0x1BF5;
	[smem:$0x3FBB] =	sst s0  }
0x18: {  	s0 =	sld [smem:$0x3F9E];
	_ =	swait.ge [sflag:s4], $0x0  }
0x19: {  	s7 =	sld [smem:$0x3F9F]  }
0x1a: {  	s8 =	sadd.s32 $0xFFFFE003, lr  }
0x1b: {  	s9 =	sadd.s32 $0xFFFFFEF7, lr;
	s5 =	simm.s32 $0xFFFFFFFF;
	p2 =	slt.u32 s8, $0xFFFFF086  }
0x1c: {  	p1 =	slt.u32 s9, $0xF7A;
	s5 =	simm.s32 @!p2 $0x0  }
0x1d: {  	s5 =	simm.s32 @p1 $0x1;
	p0 =	seq.s32 s7, s2  }
0x1e: {  	s7 =	smul.u32 @!p0 $0xF7A, s2;
	p2 =	seq.s32 @!p0 s5, $0x0  }
0x1f: {  	s9 =	smul.u32 $0xF7A, s1;
	s8 =	simm.s32 @!p0 $0x1BF5;
	p2 =	por !p2, p0  }
0x20: {  	[sflag:s8] =	ssyncset.s32 @!p0 $0xFFFFF086;
	s6 =	sadd.s32 @!p0 s3, s7;
	s7 =	simm.s32 @!p0 $0x108  }
0x21: {  	s3 =	sadd.s32 s3, s9;
	s6 =	sadd.s32 @!p0 $0x88, s6;
	s7 =	simm.s32 @p2 $0x1082  }
0x22: {  	[simem:s7], [sflag:s8] =	dma.local @!p0 [hbm:s6], $0xF7A  }
0x23: {  	s9 =	sor.u32 $0xD0000000, s2;
	s6 =	simm.s32 $0x108;
	_ =	swait.ge @!p0 [sflag:s8], $0x0  }
0x24: {  	s3 =	sadd.s32 $0x88, s3;
	s6 =	simm.s32 @!p1 $0x1082;
	[sflag:s4] =	ssyncset.s32 $0xFFFFF086  }
0x25: {  	[simem:s6], [sflag:s4] =	dma.local [hbm:s3], $0xF7A  }
0x26: {  	[smem:$0x3F9F] =	sst s1;
	(tag) =	ssettag s2;
	_ =	strace s9  }
0x27: {  	s1 =	sld [smem:$0x3FAF]  }
0x28: {  	s2 =	sld [smem:$0x3FB0]  }
0x29: {  	s4 =	sld [smem:$0x3FB2]  }
0x2a: {  	p0 =	seq.s32 s5, $0x0;
	s5 =	sld [smem:$0x3FB3]  }
0x2b: {  	s6 =	sld [smem:$0x3FB4]  }
0x2c: {  	s7 =	sld [smem:$0x3FB5]  }
0x2d: {  	s3 =	simm.s32 $0x108;
	s8 =	sld [smem:$0x3FB6]  }
0x2e: {  	s3 =	simm.s32 @!p0 $0x1082;
	s9 =	sld [smem:$0x3FB7]  }
0x2f: {  	lr =	sadd.s32 s0, s3;
	s0 =	sld [smem:$0x3FAE]  }
0x30: {  	s3 =	sld [smem:$0x3FB1]  }
0x31: {  	[smem:$0x3FBA] =	sst s10  }
0x32: {  	s10 =	sld [smem:$0x3FB8];
	_ =	sdelay $0x3  }
0x33: {  	p0 =	seq.s32 s10, $0x1;
	s10 =	sld [smem:$0x3FBA];
	_ =	sdelay $0x3  }
0x34: {  	[smem:$0x3FBA] =	sst s10  }
0x35: {  	s10 =	sld [smem:$0x3FB9];
	_ =	sdelay $0x3  }
0x36: {  	p1 =	seq.s32 s10, $0x1;
	s10 =	sld [smem:$0x3FBA];
	_ =	sdelay $0x3  }
0x37: {  	[smem:$0x3FBA] =	sst s10  }
0x38: {  	s10 =	sld [smem:$0x3FBB]  }
0x39: {  	_ = 	snop;
	(pc) =	sbr.ind lr, $3  }
0x3a: {  	_ = 	snop  }
0x3b: {  	_ = 	snop  }
0x3c: {  	p2 =	seq.s32 s10, $0x1;
	s10 =	sld [smem:$0x3FBA]  }
0x3d: {  	_ =	shalt  }
0x3e: {  	_ =	shalt  }
0x3f: {  	_ =	shalt  }
0x40: {  	_ =	shalt  }
0x41: {  	_ =	shalt  }
0x42: {  	_ =	shalt  }
0x43: {  	_ =	shalt  }
0x44: {  	_ =	shalt  }
0x45: {  	_ =	shalt  }
0x46: {  	_ =	shalt  }
0x47: {  	_ =	shalt  }
0x48: {  	_ =	shalt  }
0x49: {  	_ =	shalt  }
0x4a: {  	_ =	shalt  }
0x4b: {  	_ =	shalt  }
0x4c: {  	_ =	shalt  }
0x4d: {  	_ =	shalt  }
0x4e: {  	_ =	shalt  }
0x4f: {  	_ =	shalt  }
0x50: {  	_ =	shalt  }
0x51: {  	_ =	shalt  }
0x52: {  	_ =	shalt  }
0x53: {  	_ =	shalt  }
0x54: {  	_ =	shalt  }
0x55: {  	_ =	shalt  }
0x56: {  	_ =	shalt  }
0x57: {  	_ =	shalt  }
0x58: {  	_ =	shalt  }
0x59: {  	_ =	shalt  }
0x5a: {  	_ =	shalt  }
0x5b: {  	_ =	shalt  }
0x5c: {  	_ =	shalt  }
0x5d: {  	_ =	shalt  }
0x5e: {  	_ =	shalt  }
0x5f: {  	_ =	shalt  }
0x60: {  	_ =	shalt  }
0x61: {  	_ =	shalt  }
0x62: {  	_ =	shalt  }
0x63: {  	_ =	shalt  }
0x64: {  	_ =	shalt  }
0x65: {  	_ =	shalt  }
0x66: {  	_ =	shalt  }
0x67: {  	_ =	shalt  }
0x68: {  	_ =	shalt  }
0x69: {  	_ =	shalt  }
0x6a: {  	_ =	shalt  }
0x6b: {  	_ =	shalt  }
0x6c: {  	_ =	shalt  }
0x6d: {  	_ =	shalt  }
0x6e: {  	_ =	shalt  }
0x6f: {  	_ =	shalt  }
0x70: {  	_ =	shalt  }
0x71: {  	_ =	shalt  }
0x72: {  	_ =	shalt  }
0x73: {  	_ =	shalt  }
0x74: {  	_ =	shalt  }
0x75: {  	_ =	shalt  }
0x76: {  	_ =	shalt  }
0x77: {  	_ =	shalt  }
0x78: {  	_ =	shalt  }
0x79: {  	_ =	shalt  }
0x7a: {  	_ =	shalt  }
0x7b: {  	_ =	shalt  }
0x7c: {  	_ =	shalt  }
0x7d: {  	_ =	shalt  }
0x7e: {  	_ =	shalt  }
0x7f: {  	_ =	shalt  }
0x80: {  	_ =	shalt  }
0x81: {  	_ =	shalt  }
0x82: {  	_ =	shalt  }
0x83: {  	_ =	shalt  }
0x84: {  	_ =	shalt  }
0x85: {  	_ =	shalt  }
0x86: {  	_ =	shalt  }
0x87: {  	_ =	shalt  }
.Lfunc_end0:
.L_simem_size_0:
called_computation_lowered:
.L_overlay_start_0:
0x88: {  	s2 =	sld [smem:$0x3FD9]  }
0x89: {  	s3 =	sld [smem:$0x3FFE];
	_ =	sdelay $0x1  }
0x8a: {  	s1 =	srdreg.scid  }
0x8b: {  	s0 =	sand.u32 $0x1, s1  }
0x8c: {  	s17 =	sshll.u32 s0, $0xA;
	s2 =	sadd.s32 s3, s2  }
0x8d: {  	s2 =	sadd.s32 s2, s17  }
0x8e: {  	[smem:$0x3FC6] =	sst s2  }
0x8f: {  	_ = 	snop  }
0x90: {  	s18 =	sld [smem:$0x3FD0];
	(tm) =	ssettm $0x1  }
0x91: {  	s19 =	sld [smem:$0x3FFB];
	_ =	sdelay $0x3  }
0x92: {  	_ =	strace s19  }
0x93: {  	s2 =	sld [smem:$0x3FFC];
	_ =	sdelay $0x3  }
0x94: {  	_ =	strace s2  }
0x95: {  	s2 =	sld [smem:$0x3FFD];
	_ =	sdelay $0x3  }
0x96: {  	_ =	strace s2  }
0x97: {  	_ =	strace $0x8FFFFFFF  }
0x98: {  	s20 =	sld [smem:$0x3FDB];
	_ =	sdelay $0x1  }
0x99: {  	s4 =	simm.s32 $_scs_section_size  }
0x9a: {  	s5 =	simm.s32 $_size__tile_overlayer_lowered;
	s6 =	simm.s32 $_tile_overlayer_lowered  }
0x9b: {  	s7 =	simm.s32 $0x1BFF;
	s21 =	sshll.u32 s6, $0x1;
	s4 =	sadd.s32 s4, s20  }
0x9c: {  	s22 =	simm.s32 $0x0;
	s5 =	sshll.u32 s5, $0x1;
	s6 =	sadd.s32 s21, s4  }
0x9d: {  	[timem:s22], [sflag:s7] =	dma.local [hbm:s6], s5  }
0x9e: {  	_ =	swait.ge [sflag:s7], s5  }
0x9f: {  	s5 =	ssub.s32 $0x0, s5;
	[sflag:s7] =	ssyncset.done $0x0  }
0xa0: {  	[sflag:s7] =	ssyncadd.s32 s5;
	_ =	sdelay $0x1  }
0xa1: {  	s23 =	simm.s32 $0x1B8B  }
0xa2: {  	_ =	swait.ge [sflag:s23], $0x1  }
0xa3: {  	[sflag:s23] =	ssyncset.done $0x0  }
0xa4: {  	[sflag:s23] =	ssyncadd.s32 $0xFFFFFFFF  }
0xa5: {  	s5 =	sld [smem:$0x0]  }
0xa6: {  	s6 =	sand.u32 $0xFFFFFFFE, s1  }
0xa7: {  	p0 =	sne.s32 s1, s6  }
0xa8: {  	s6 =	sshll.u32 @p0 s6, $0xE  }
0xa9: {  	s6 =	sadd.s32 @p0 $0x11B8D, s6;
	s7 =	sshll.u32 @p0 s5, $0x11  }
0xaa: {  	s6 =	sor.u32 @p0 s7, s6  }
0xab: {  	[sflag:s6] =	ssyncadd.remote.s32 @p0 $0x1;
	_ =	sdelay $0x1  }
0xac: {  	s6 =	simm.s32 @p0 $0x1B8D  }
0xad: {  	_ =	swait.eq @p0 [sflag:s6], $0x1  }
0xae: {  	[sflag:s6] =	ssyncadd.s32 @p0 $0xFFFFFFFF  }
0xaf: {  	s7 =	sshll.u32 @!p0 s1, $0xE  }
0xb0: {  	s7 =	sor.u32 @!p0 $0x4000, s7;
	s6 =	simm.s32 @!p0 $0x1B8D  }
0xb1: {  	s5 =	sshll.u32 @!p0 s5, $0x11;
	s7 =	sadd.s32 @!p0 $0x11B8D, s7;
	_ =	swait.eq @!p0 [sflag:s6], $0x1  }
0xb2: {  	s5 =	sor.u32 @!p0 s5, s7;
	[sflag:s6] =	ssyncadd.s32 @!p0 $0xFFFFFFFF  }
0xb3: {  	s25 =	simm.s32 $0x1B8E;
	s24 =	sld [smem:$0x3FFE];
	[sflag:s5] =	ssyncadd.remote.s32 @!p0 $0x1  }
0xb4: {  	s26 =	simm.s32 $execute0_lowered;
	[smem:$0x3FD2] =	sst s25  }
0xb5: {  	s6 =	sshll.u32 s26, $0x1;
	_ =	strace $0x80000049;
	[dreg:$0x1] =	wrdreg $0xFFFFFFFF  }
0xb6: {  	s28 =	simm.s32 $_size_execute0_lowered;
	s4 =	sadd.s32 s4, s6;
	[dreg:$0x0] =	wrdreg $0x0  }
0xb7: {  	s6 =	sshll.u32 s28, $0x1;
	[dreg:$0x2] =	wrdreg s4  }
0xb8: {  	[dreg:$0x3] =	wrdreg s6  }
0xb9: {  	[dreg:$0x4] =	wrdreg $0xC0  }
0xba: {  	_ =	task [dreg:s22], $0x5FFFF  }
0xbb: {  	[dreg:$0x1] =	wrdreg $0xFFFFFFFF  }
0xbc: {  	[dreg:$0x0] =	wrdreg $0x60  }
0xbd: {  	[dreg:$0x2] =	wrdreg s24  }
0xbe: {  	[dreg:$0x3] =	wrdreg s18  }
0xbf: {  	[dreg:$0x4] =	wrdreg $0x9  }
0xc0: {  	_ =	task.clear_ibuf [dreg:s22], $0x5FFFF;
	_ =	strace $0x90000049  }
0xc1: {  	s29 =	simm.s32 $0x9;
	_ =	strace $0x8000004B  }
0xc2: {  	_ =	swait.ge [sflag:s29], $0x1  }
0xc3: {  	[sflag:s29] =	ssyncadd.s32 $0xFFFFFFFF  }
0xc4: {  	_ =	strace $0x9000004B  }
0xc5: {  	_ =	sfence  }
0xc6: {  	s30 =	sld [smem:$0x0];
	_ =	sdelay $0x2  }
0xc7: {  	s31 =	sshll.u32 s1, $0xD;
	s1 =	sshrl.u32 s1, $0x2  }
0xc8: {  	s4 =	sand.u32 $0x4000, s31;
	s1 =	sadd.s32 s1, s30  }
0xc9: {  	s0 =	sor.u32 s4, s0;
	s1 =	sshll.u32 s1, $0x11  }
0xca: {  	s0 =	sor.u32 s1, s0  }
0xcb: {  	s0 =	sadd.s32 $0x8F2B, s0  }
0xcc: {  	[sflag:s0] =	ssyncadd.remote.s32 $0x1  }
0xcd: {  	_ =	sfence.sel $0xFFFF  }
0xce: {  	[dreg:$0x0] =	wrdreg $0xFFFFFFFF;
	(pc) =	sbr.abs _section_cstart, $3  }
0xcf: {  	[dreg:$0x1] =	wrdreg $0xFFFFFFFF  }
0xd0: {  	_ =	task.clear_ibuf [dreg:s22], $0x2FFFF;
	_ =	strace $0x9FFFFFFF  }
0xd1: {  	(tm) =	ssettm $0x7FFFFFFF  }
tec
execute0_lowered:
.L_overlay_start_1:
0x0: {  	(tag) =	ssettag $0x1  }
0x1: {  	s1 =	srdreg.scid  }
0x2: {  	s0 =	stileid.u32;
	s4 =	rddreg [dreg:$0x0]  }
0x3: {  	s8 =	rddreg [dreg:$0x1];
	s10 =	smul.u32 $0xD00, s0  }
0x4: {  	s7 =	sand.u32 $0x1, s1;
	s28 =	sshll.u32 s0, $0x1;
	s14 =	smul.u32 $0x1A, s0  }
0x5: {  	s2 =	simm.s32 $0x0;
	s5 =	sor.u32 s7, s28;
	s12 =	smul.u32 $0x680, s7  }
0x6: {  	s15 =	simm.s32 $0x0;
	s1 =	rddreg [dreg:$0x2];
	s3 =	smul.u32 $0xD, s5  }
0x7: {  	[smem:$0x7FF] =	sst s2;
	s6 =	ssub.s32 $0x2, s7;
	s9 =	smul.u32 $0x1A00, s5  }
0x8: {  	_ =	strace $0x8000004A;
	s31 =	smul.u32 $0xD, s7;
	s30 =	sshrl.u32 s6, $0x1  }
0x9: {  	s13 =	ssub.s32 s6, s30;
	s3 =	sshrl.u32 s3, $0x5;
	s7 =	sadd.s32 s8, s9  }
0xa: {  	s8 =	smax.u32 s13, $0x1;
	s9 =	sadd.s32 s12, s10;
	s10 =	sadd.s32 s31, s14  }
0xb: {  	s12 =	simm.s32 $0x1000;
	s13 =	simm.s32 $0x1;
	s29 =	sshll.u32 s3, $0x9  }
0xc: {  	s14 =	simm.s32 $0x2000;
	s11 =	sadd.s32 s29, s4;
	s4 =	sadd.s32 $0x52E800, s4  }
0xd: {  	s5 =	sadd.s32 $0x800, s11;
	s6 =	sadd.s32 $0xA00, s11;
	s11 =	simm.s32 $0x2  }
.LBB2_1:
0xe: {  	[tilespmem:s2], [sflag:$0x2] =	stream.linear.gather [hbm4b:s5+s2], $0x1000, $0x38;
	[tilespmem:$0xF000] =	vst v63  }
0xf: {  	_ =	swait.ge [sflag:s11], $0x1000  }
0x10: {  	[sflag:s11] =	ssyncset.done $0x0  }
0x11: {  	[sflag:s11] =	ssyncadd.s32 $0xFFFFF000  }
0x12: {  	[tilespmem:s12], [sflag:$0x2] =	stream.linear.gather [hbm4b:s6+s2], $0x1000, $0x38;
	[tilespmem:$0xF000] =	vst v63  }
0x13: {  	_ =	swait.ge [sflag:s11], $0x1000  }
0x14: {  	[sflag:s11] =	ssyncset.done $0x0  }
0x15: {  	s16 =	simm.s32 $0x0;
	s17 =	simm.s32 $0x40;
	[sflag:s11] =	ssyncadd.s32 $0xFFFFF000  }
.LBB2_2:
0x16: {  	p0 =	sne.s32 s17, $0x7FC0;
	v0 =	vld [tilespmem:s16+$0x0];
	_ =	sdelay $0x3  }
.Ltmp0:
0x17: {  	(pc) =	sbr.rel @p0 .LBB2_2-.Ltmp0, $4  }
0x18: {  	v1 =	vshll.u32 v0, $0x3  }
0x19: {  	v0 =	vand.u32 $0x7F, v0;
	v1 =	vand.u32 $0xFFFFFC00, v1  }
0x1a: {  	v0 =	vor.u32 v0, v1  }
0x1b: {  	[tilespmem:s16+$0x0] =	vst v0;
	s16 =	sshra.s32 s17, $0x2;
	s17 =	sadd.s32 $0x40, s17  }
0x1c: {  	v0 =	vld [tilespmem:s16+$0x0];
	_ =	sdelay $0x1  }
0x1d: {  	s17 =	sadd.s32 $0x0, s10  }
0x1e: {  	s18 =	sshrl.u32 s17, $0x3  }
0x1f: {  	s17 =	sshrl.u32 s17, $0x5;
	s18 =	smul.u32 $0xC3800, s18  }
0x20: {  	s19 =	sand.u32 $0x380, s9;
	s17 =	ssub.s32 s17, s3;
	v1 =	vshll.u32 v0, $0x3  }
0x21: {  	s17 =	sshll.u32 s17, $0xE;
	s18 =	sor.u32 s19, s18;
	v0 =	vand.u32 $0x7F, v0;
	v1 =	vand.u32 $0xFFFFFC00, v1  }
0x22: {  	s17 =	sshra.s32 s17, $0x2;
	s18 =	sshrl.u32 s18, $0x3;
	v0 =	vor.u32 v0, v1  }
0x23: {  	s19 =	sadd.s32 $0x1, s10;
	s18 =	sadd.s32 s4, s18;
	[tilespmem:s16+$0x0] =	vst v0;
	s16 =	simm.s32 $0x2000  }
0x24: {  	[tilespmem:s16], [sflag:$0x1] =	stream.indirect.gather [hbm4b:s18+s12], $0x1, s17, s12, $0xb8;
	[tilespmem:$0xF000] =	vst v63  }
0x25: {  	s20 =	sshrl.u32 s19, $0x3;
	s18 =	simm.s32 $0x2;
	s17 =	smov.u32 s9  }
.LBB2_4:
0x26: {  	p0 =	sne.s32 s18, $0xC;
	s20 =	smul.u32 $0xC3800, s20;
	s17 =	sadd.s32 $0x80, s17  }
0x27: {  	s19 =	sshrl.u32 s19, $0x5;
	s21 =	sand.u32 $0x380, s17  }
.Ltmp1:
0x28: {  	s19 =	ssub.s32 s19, s3;
	s20 =	sor.u32 s21, s20;
	(pc) =	sbr.rel @p0 .LBB2_4-.Ltmp1, $4  }
0x29: {  	s16 =	sadd.s32 $0x1000, s16;
	s21 =	sshll.u32 s19, $0xE;
	s20 =	sshrl.u32 s20, $0x3  }
0x2a: {  	s19 =	sadd.s32 s18, s10;
	s21 =	sshra.s32 s21, $0x2;
	s20 =	sadd.s32 s4, s20  }
0x2b: {  	[tilespmem:s16], [sflag:$0x1] =	stream.indirect.gather [hbm4b:s20+s12], $0x1, s21, s12, $0xb8;
	[tilespmem:$0xF000] =	vst v63  }
0x2c: {  	s18 =	sadd.s32 $0x1, s18;
	s20 =	sshrl.u32 s19, $0x3  }
0x2d: {  	s18 =	smul.u32 $0xC3800, s20;
	s17 =	sadd.s32 $0x80, s17  }
0x2e: {  	s19 =	sshrl.u32 s19, $0x5;
	s17 =	sand.u32 $0x380, s17  }
0x2f: {  	s19 =	ssub.s32 s19, s3;
	s17 =	sor.u32 s17, s18  }
0x30: {  	s31 =	sshll.u32 s19, $0xE;
	s17 =	sshrl.u32 s17, $0x3  }
0x31: {  	s16 =	sadd.s32 $0x1000, s16;
	s18 =	sshra.s32 s31, $0x2;
	s17 =	sadd.s32 s4, s17  }
0x32: {  	[tilespmem:s16], [sflag:$0x1] =	stream.indirect.gather [hbm4b:s17+s12], $0x1, s18, s12, $0xb8;
	[tilespmem:$0xF000] =	vst v63  }
0x33: {  	_ =	swait.ge [sflag:s13], $0x1000  }
0x34: {  	[sflag:s13] =	ssyncset.done $0x0  }
0x35: {  	[sflag:s13] =	ssyncadd.s32 $0xFFFFF000  }
0x36: {  	_ =	swait.ge [sflag:s13], $0x1000  }
0x37: {  	[sflag:s13] =	ssyncset.done $0x0  }
0x38: {  	[sflag:s13] =	ssyncadd.s32 $0xFFFFF000  }
0x39: {  	_ =	swait.ge [sflag:s13], $0x1000  }
0x3a: {  	[sflag:s13] =	ssyncset.done $0x0  }
0x3b: {  	[sflag:s13] =	ssyncadd.s32 $0xFFFFF000  }
0x3c: {  	_ =	swait.ge [sflag:s13], $0x1000  }
0x3d: {  	[sflag:s13] =	ssyncset.done $0x0  }
0x3e: {  	[sflag:s13] =	ssyncadd.s32 $0xFFFFF000  }
0x3f: {  	_ =	swait.ge [sflag:s13], $0x1000  }
0x40: {  	[sflag:s13] =	ssyncset.done $0x0  }
0x41: {  	[sflag:s13] =	ssyncadd.s32 $0xFFFFF000  }
0x42: {  	_ =	swait.ge [sflag:s13], $0x1000  }
0x43: {  	[sflag:s13] =	ssyncset.done $0x0  }
0x44: {  	[sflag:s13] =	ssyncadd.s32 $0xFFFFF000  }
0x45: {  	_ =	swait.ge [sflag:s13], $0x1000  }
0x46: {  	[sflag:s13] =	ssyncset.done $0x0  }
0x47: {  	[sflag:s13] =	ssyncadd.s32 $0xFFFFF000  }
0x48: {  	_ =	swait.ge [sflag:s13], $0x1000  }
0x49: {  	[sflag:s13] =	ssyncset.done $0x0  }
0x4a: {  	[sflag:s13] =	ssyncadd.s32 $0xFFFFF000  }
0x4b: {  	_ =	swait.ge [sflag:s13], $0x1000  }
0x4c: {  	[sflag:s13] =	ssyncset.done $0x0  }
0x4d: {  	[sflag:s13] =	ssyncadd.s32 $0xFFFFF000  }
0x4e: {  	_ =	swait.ge [sflag:s13], $0x1000  }
0x4f: {  	[sflag:s13] =	ssyncset.done $0x0  }
0x50: {  	[sflag:s13] =	ssyncadd.s32 $0xFFFFF000  }
0x51: {  	_ =	swait.ge [sflag:s13], $0x1000  }
0x52: {  	[sflag:s13] =	ssyncset.done $0x0  }
0x53: {  	[sflag:s13] =	ssyncadd.s32 $0xFFFFF000  }
0x54: {  	_ =	swait.ge [sflag:s13], $0x1000  }
0x55: {  	[sflag:s13] =	ssyncset.done $0x0  }
0x56: {  	[sflag:s13] =	ssyncadd.s32 $0xFFFFF000  }
0x57: {  	s15 =	sadd.s32 $0x1, s15;
	_ =	swait.ge [sflag:s13], $0x1000  }
0x58: {  	p0 =	sne.s32 s15, s8;
	[sflag:s13] =	ssyncset.done $0x0  }
.Ltmp2:
0x59: {  	[sflag:s13] =	ssyncadd.s32 $0xFFFFF000;
	(pc) =	sbr.rel @p0 .LBB2_1-.Ltmp2, $4  }
0x5a: {  	[hbm4b:s7+s2] =	stream.linear.scatter [tilespmem:s14], [sflag:$0x2], $0xD000, $0x38;
	[tilespmem:$0xF000] =	vst v63  }
0x5b: {  	_ =	swait.ge [sflag:s11], $0xD000  }
0x5c: {  	[sflag:s11] =	ssyncset.done $0x0  }
0x5d: {  	[sflag:s11] =	ssyncadd.s32 $0xFFFF3000  }
0x5e: {  	_ =	sfence.sel $0x180000  }
0x5f: {  	[bflag:$0x0] =	sbarrier.arrive $0xFFFF  }
0x60: {  	p0 =	sne.s32 s0, $0x0;
	_ =	strace $0x9000004A  }
0x61: {  	s0 =	sadd.s32 @!p0 $0x100000, s1;
	[bflag:$0x2] =	sbarrier.arrive $0xFFFF  }
0x62: {  	[sflag:s0] =	ssyncadd.tile.s32 @!p0 $0x1;
	_ =	shalt  }
.Lfunc_end2:
_tile_overlayer_lowered:
.L_overlay_start_2:
0x63: {  	(tag) =	ssettag $0x2  }
0x64: {  	s0 =	rddreg [dreg:$0x0];
	s2 =	stileid.u32  }
0x65: {  	s1 =	rddreg [dreg:$0x1];
	p0 =	sne.s32 s2, $0x0  }
0x66: {  	s3 =	rddreg [dreg:$0x2];
	[bflag:$0x3] =	sbarrier.arrive $0xFFFF;
	s2 =	simm.s32 @!p0 $0x1C02  }
0x67: {  	[timem:s3], [sflag:s2] =	dma.local @!p0 [hbm:s0], s1  }
0x68: {  	s0 =	simm.s32 @!p0 $0x2  }
0x69: {  	_ =	swait.ge @!p0 [sflag:s0], s1  }
0x6a: {  	s1 =	ssub.s32 @!p0 $0x0, s1;
	[sflag:s0] =	ssyncset.done @!p0 $0x0  }
0x6b: {  	[sflag:s0] =	ssyncadd.s32 @!p0 s1  }
0x6c: {  	[bflag:$0x3] =	sbarrier.arrive $0xFFFF  }
0x6d: {  	_ =	shalt  }

// kernel: kernel.9.cloned.1.call-start
scs
__scs_entry_jumppad:
0x0: {  	(pc) =	sbr.rel $0x88, $3  }
0x1: {  	(tag) =	ssettag $0x0;
	lr =	simm.s32 $0x1  }
0x2: {  	[smem:$0x3F9F] =	sst lr;
	_ =	strace $0xD0000000  }
0x3: {  	_ = 	snop  }
0x4: {  	_ = 	snop  }
0x5: {  	_ = 	snop  }
0x6: {  	_ = 	snop  }
0x7: {  	_ = 	snop  }
__scs_overlays_trampoline_lowered:
0x8: {  	[smem:$0x3FAE] =	sst s0  }
0x9: {  	[smem:$0x3FAF] =	sst s1  }
0xa: {  	[smem:$0x3FB0] =	sst s2  }
0xb: {  	[smem:$0x3FB1] =	sst s3  }
0xc: {  	[smem:$0x3FB2] =	sst s4  }
0xd: {  	[smem:$0x3FB3] =	sst s5  }
0xe: {  	[smem:$0x3FB4] =	sst s6  }
0xf: {  	[smem:$0x3FB5] =	sst s7  }
0x10: {  	[smem:$0x3FB6] =	sst s8  }
0x11: {  	[smem:$0x3FB7] =	sst s9;
	s0 =	simm.s32 @!p0 $0x0  }
0x12: {  	s1 =	sld [smem:$0x3F9D];
	s0 =	simm.s32 @p0 $0x1  }
0x13: {  	[smem:$0x3FB8] =	sst s0;
	s0 =	simm.s32 @!p1 $0x0  }
0x14: {  	s2 =	sld [smem:$0x3F9C];
	s0 =	simm.s32 @p1 $0x1  }
0x15: {  	[smem:$0x3FB9] =	sst s0;
	s0 =	simm.s32 @!p2 $0x0  }
0x16: {  	s3 =	sld [smem:$0x3FDB];
	s0 =	simm.s32 @p2 $0x1  }
0x17: {  	s4 =	simm.s32 $0x1BF5;
	[smem:$0x3FBB] =	sst s0  }
0x18: {  	s0 =	sld [smem:$0x3F9E];
	_ =	swait.ge [sflag:s4], $0x0  }
0x19: {  	s7 =	sld [smem:$0x3F9F]  }
0x1a: {  	s8 =	sadd.s32 $0xFFFFE003, lr  }
0x1b: {  	s9 =	sadd.s32 $0xFFFFFEF7, lr;
	s5 =	simm.s32 $0xFFFFFFFF;
	p2 =	slt.u32 s8, $0xFFFFF086  }
0x1c: {  	p1 =	slt.u32 s9, $0xF7A;
	s5 =	simm.s32 @!p2 $0x0  }
0x1d: {  	s5 =	simm.s32 @p1 $0x1;
	p0 =	seq.s32 s7, s2  }
0x1e: {  	s7 =	smul.u32 @!p0 $0xF7A, s2;
	p2 =	seq.s32 @!p0 s5, $0x0  }
0x1f: {  	s9 =	smul.u32 $0xF7A, s1;
	s8 =	simm.s32 @!p0 $0x1BF5;
	p2 =	por !p2, p0  }
0x20: {  	[sflag:s8] =	ssyncset.s32 @!p0 $0xFFFFF086;
	s6 =	sadd.s32 @!p0 s3, s7;
	s7 =	simm.s32 @!p0 $0x108  }
0x21: {  	s3 =	sadd.s32 s3, s9;
	s6 =	sadd.s32 @!p0 $0x88, s6;
	s7 =	simm.s32 @p2 $0x1082  }
0x22: {  	[simem:s7], [sflag:s8] =	dma.local @!p0 [hbm:s6], $0xF7A  }
0x23: {  	s9 =	sor.u32 $0xD0000000, s2;
	s6 =	simm.s32 $0x108;
	_ =	swait.ge @!p0 [sflag:s8], $0x0  }
0x24: {  	s3 =	sadd.s32 $0x88, s3;
	s6 =	simm.s32 @!p1 $0x1082;
	[sflag:s4] =	ssyncset.s32 $0xFFFFF086  }
0x25: {  	[simem:s6], [sflag:s4] =	dma.local [hbm:s3], $0xF7A  }
0x26: {  	[smem:$0x3F9F] =	sst s1;
	(tag) =	ssettag s2;
	_ =	strace s9  }
0x27: {  	s1 =	sld [smem:$0x3FAF]  }
0x28: {  	s2 =	sld [smem:$0x3FB0]  }
0x29: {  	s4 =	sld [smem:$0x3FB2]  }
0x2a: {  	p0 =	seq.s32 s5, $0x0;
	s5 =	sld [smem:$0x3FB3]  }
0x2b: {  	s6 =	sld [smem:$0x3FB4]  }
0x2c: {  	s7 =	sld [smem:$0x3FB5]  }
0x2d: {  	s3 =	simm.s32 $0x108;
	s8 =	sld [smem:$0x3FB6]  }
0x2e: {  	s3 =	simm.s32 @!p0 $0x1082;
	s9 =	sld [smem:$0x3FB7]  }
0x2f: {  	lr =	sadd.s32 s0, s3;
	s0 =	sld [smem:$0x3FAE]  }
0x30: {  	s3 =	sld [smem:$0x3FB1]  }
0x31: {  	[smem:$0x3FBA] =	sst s10  }
0x32: {  	s10 =	sld [smem:$0x3FB8];
	_ =	sdelay $0x3  }
0x33: {  	p0 =	seq.s32 s10, $0x1;
	s10 =	sld [smem:$0x3FBA];
	_ =	sdelay $0x3  }
0x34: {  	[smem:$0x3FBA] =	sst s10  }
0x35: {  	s10 =	sld [smem:$0x3FB9];
	_ =	sdelay $0x3  }
0x36: {  	p1 =	seq.s32 s10, $0x1;
	s10 =	sld [smem:$0x3FBA];
	_ =	sdelay $0x3  }
0x37: {  	[smem:$0x3FBA] =	sst s10  }
0x38: {  	s10 =	sld [smem:$0x3FBB]  }
0x39: {  	_ = 	snop;
	(pc) =	sbr.ind lr, $3  }
0x3a: {  	_ = 	snop  }
0x3b: {  	_ = 	snop  }
0x3c: {  	p2 =	seq.s32 s10, $0x1;
	s10 =	sld [smem:$0x3FBA]  }
0x3d: {  	_ =	shalt  }
0x3e: {  	_ =	shalt  }
0x3f: {  	_ =	shalt  }
0x40: {  	_ =	shalt  }
0x41: {  	_ =	shalt  }
0x42: {  	_ =	shalt  }
0x43: {  	_ =	shalt  }
0x44: {  	_ =	shalt  }
0x45: {  	_ =	shalt  }
0x46: {  	_ =	shalt  }
0x47: {  	_ =	shalt  }
0x48: {  	_ =	shalt  }
0x49: {  	_ =	shalt  }
0x4a: {  	_ =	shalt  }
0x4b: {  	_ =	shalt  }
0x4c: {  	_ =	shalt  }
0x4d: {  	_ =	shalt  }
0x4e: {  	_ =	shalt  }
0x4f: {  	_ =	shalt  }
0x50: {  	_ =	shalt  }
0x51: {  	_ =	shalt  }
0x52: {  	_ =	shalt  }
0x53: {  	_ =	shalt  }
0x54: {  	_ =	shalt  }
0x55: {  	_ =	shalt  }
0x56: {  	_ =	shalt  }
0x57: {  	_ =	shalt  }
0x58: {  	_ =	shalt  }
0x59: {  	_ =	shalt  }
0x5a: {  	_ =	shalt  }
0x5b: {  	_ =	shalt  }
0x5c: {  	_ =	shalt  }
0x5d: {  	_ =	shalt  }
0x5e: {  	_ =	shalt  }
0x5f: {  	_ =	shalt  }
0x60: {  	_ =	shalt  }
0x61: {  	_ =	shalt  }
0x62: {  	_ =	shalt  }
0x63: {  	_ =	shalt  }
0x64: {  	_ =	shalt  }
0x65: {  	_ =	shalt  }
0x66: {  	_ =	shalt  }
0x67: {  	_ =	shalt  }
0x68: {  	_ =	shalt  }
0x69: {  	_ =	shalt  }
0x6a: {  	_ =	shalt  }
0x6b: {  	_ =	shalt  }
0x6c: {  	_ =	shalt  }
0x6d: {  	_ =	shalt  }
0x6e: {  	_ =	shalt  }
0x6f: {  	_ =	shalt  }
0x70: {  	_ =	shalt  }
0x71: {  	_ =	shalt  }
0x72: {  	_ =	shalt  }
0x73: {  	_ =	shalt  }
0x74: {  	_ =	shalt  }
0x75: {  	_ =	shalt  }
0x76: {  	_ =	shalt  }
0x77: {  	_ =	shalt  }
0x78: {  	_ =	shalt  }
0x79: {  	_ =	shalt  }
0x7a: {  	_ =	shalt  }
0x7b: {  	_ =	shalt  }
0x7c: {  	_ =	shalt  }
0x7d: {  	_ =	shalt  }
0x7e: {  	_ =	shalt  }
0x7f: {  	_ =	shalt  }
0x80: {  	_ =	shalt  }
0x81: {  	_ =	shalt  }
0x82: {  	_ =	shalt  }
0x83: {  	_ =	shalt  }
0x84: {  	_ =	shalt  }
0x85: {  	_ =	shalt  }
0x86: {  	_ =	shalt  }
0x87: {  	_ =	shalt  }
.Lfunc_end0:
.L_simem_size_0:
called_computation.1_lowered:
.L_overlay_start_0:
0x88: {  	s2 =	sld [smem:$0x3FD9]  }
0x89: {  	s3 =	sld [smem:$0x3FFE];
	_ =	sdelay $0x1  }
0x8a: {  	s1 =	srdreg.scid  }
0x8b: {  	s0 =	sand.u32 $0x1, s1  }
0x8c: {  	s16 =	sshll.u32 s0, $0xA;
	s2 =	sadd.s32 s3, s2  }
0x8d: {  	s2 =	sadd.s32 s2, s16  }
0x8e: {  	[smem:$0x3FC6] =	sst s2  }
0x8f: {  	_ = 	snop  }
0x90: {  	(tm) =	ssettm $0x1  }
0x91: {  	s17 =	sld [smem:$0x3FFB];
	_ =	sdelay $0x3  }
0x92: {  	_ =	strace s17  }
0x93: {  	s2 =	sld [smem:$0x3FFC];
	_ =	sdelay $0x3  }
0x94: {  	_ =	strace s2  }
0x95: {  	s2 =	sld [smem:$0x3FFD];
	_ =	sdelay $0x3  }
0x96: {  	_ =	strace s2  }
0x97: {  	_ =	strace $0x8FFFFFFF  }
0x98: {  	s18 =	sld [smem:$0x3FDB];
	_ =	sdelay $0x1  }
0x99: {  	s19 =	simm.s32 $_scs_section_size  }
0x9a: {  	s4 =	simm.s32 $_size__tile_overlayer_lowered;
	s5 =	simm.s32 $_tile_overlayer_lowered  }
0x9b: {  	s22 =	simm.s32 $0x1BFF;
	s21 =	sshll.u32 s5, $0x1;
	s2 =	sadd.s32 s19, s18  }
0x9c: {  	s6 =	simm.s32 $0x0;
	s20 =	sshll.u32 s4, $0x1;
	s4 =	sadd.s32 s21, s2  }
0x9d: {  	[timem:s6], [sflag:s22] =	dma.local [hbm:s4], s20  }
0x9e: {  	_ =	swait.ge [sflag:s22], s20  }
0x9f: {  	s3 =	ssub.s32 $0x0, s20;
	[sflag:s22] =	ssyncset.done $0x0  }
0xa0: {  	[sflag:s22] =	ssyncadd.s32 s3;
	_ =	sdelay $0x1  }
0xa1: {  	s23 =	simm.s32 $0x1B8B  }
0xa2: {  	_ =	swait.ge [sflag:s23], $0x1  }
0xa3: {  	[sflag:s23] =	ssyncset.done $0x0  }
0xa4: {  	s25 =	simm.s32 $0x1B8E;
	s24 =	sld [smem:$0x3FFE];
	[sflag:s23] =	ssyncadd.s32 $0xFFFFFFFF  }
0xa5: {  	s26 =	simm.s32 $execute0_lowered;
	[smem:$0x3FD2] =	sst s25  }
0xa6: {  	s4 =	sshll.u32 s26, $0x1;
	_ =	strace $0x80000046;
	[dreg:$0x1] =	wrdreg $0xFFFFFFFF  }
0xa7: {  	s28 =	simm.s32 $_size_execute0_lowered;
	s2 =	sadd.s32 s2, s4;
	[dreg:$0x0] =	wrdreg $0x0  }
0xa8: {  	s4 =	sshll.u32 s28, $0x1;
	[dreg:$0x2] =	wrdreg s2  }
0xa9: {  	[dreg:$0x3] =	wrdreg s4  }
0xaa: {  	[dreg:$0x4] =	wrdreg $0xC0  }
0xab: {  	_ =	task [dreg:s6], $0x5FFFF  }
0xac: {  	[dreg:$0x1] =	wrdreg $0xFFFFFFFF  }
0xad: {  	[dreg:$0x0] =	wrdreg $0x60  }
0xae: {  	[dreg:$0x2] =	wrdreg s24  }
0xaf: {  	[dreg:$0x3] =	wrdreg $0xA  }
0xb0: {  	_ =	task.clear_ibuf [dreg:s6], $0x4FFFF;
	_ =	strace $0x90000046  }
0xb1: {  	s29 =	simm.s32 $0xA;
	_ =	strace $0x80000048  }
0xb2: {  	_ =	swait.ge [sflag:s29], $0x1  }
0xb3: {  	[sflag:s29] =	ssyncadd.s32 $0xFFFFFFFF  }
0xb4: {  	_ =	strace $0x90000048  }
0xb5: {  	_ =	sfence  }
0xb6: {  	s30 =	sld [smem:$0x0];
	_ =	sdelay $0x2  }
0xb7: {  	s31 =	sshll.u32 s1, $0xD;
	s1 =	sshrl.u32 s1, $0x2  }
0xb8: {  	s3 =	sand.u32 $0x4000, s31;
	s1 =	sadd.s32 s1, s30  }
0xb9: {  	s0 =	sor.u32 s3, s0;
	s1 =	sshll.u32 s1, $0x11  }
0xba: {  	s0 =	sor.u32 s1, s0  }
0xbb: {  	s0 =	sadd.s32 $0x8F2B, s0  }
0xbc: {  	[sflag:s0] =	ssyncadd.remote.s32 $0x1  }
0xbd: {  	_ =	sfence.sel $0xFFFF  }
0xbe: {  	[dreg:$0x0] =	wrdreg $0xFFFFFFFF;
	(pc) =	sbr.abs _section_cstart, $3  }
0xbf: {  	[dreg:$0x1] =	wrdreg $0xFFFFFFFF  }
0xc0: {  	_ =	task.clear_ibuf [dreg:s6], $0x2FFFF;
	_ =	strace $0x9FFFFFFF  }
0xc1: {  	(tm) =	ssettm $0x7FFFFFFF  }
tec
execute0_lowered:
.L_overlay_start_1:
0x0: {  	(tag) =	ssettag $0x1  }
0x1: {  	s1 =	srdreg.scid  }
0x2: {  	s0 =	stileid.u32;
	s4 =	rddreg [dreg:$0x0];
	s2 =	simm.s32 $0x0  }
0x3: {  	s14 =	simm.s32 $0x2000;
	s15 =	simm.s32 $0x0;
	s11 =	smul.u32 $0xD00, s0  }
0x4: {  	s7 =	sand.u32 $0x1, s1;
	s3 =	sshll.u32 s0, $0x1;
	s13 =	smul.u32 $0x1A, s0  }
0x5: {  	s1 =	rddreg [dreg:$0x1];
	s3 =	sor.u32 s7, s3;
	s12 =	smul.u32 $0x680, s7  }
0x6: {  	[smem:$0x7FF] =	sst s2;
	s6 =	sadd.s32 $0x800, s4;
	s5 =	smul.u32 $0xD, s3  }
0x7: {  	_ =	strace $0x80000047;
	s9 =	ssub.s32 $0x2, s7;
	s8 =	smul.u32 $0x1A00, s3  }
0x8: {  	s31 =	smul.u32 $0xD, s7;
	s3 =	sadd.s32 $0x3C00, s4;
	s10 =	sshrl.u32 s9, $0x1  }
0x9: {  	s9 =	ssub.s32 s9, s10;
	s5 =	sadd.s32 $0x1A0, s5;
	s8 =	sadd.s32 s8, s4  }
0xa: {  	s4 =	sshrl.u32 s5, $0x5;
	s5 =	sshll.u32 s5, $0x4;
	s7 =	sadd.s32 $0x4FA800, s8  }
0xb: {  	s8 =	smax.u32 s9, $0x1;
	s9 =	sadd.s32 s12, s11;
	s30 =	smin.u32 s4, $0x18  }
0xc: {  	s11 =	simm.s32 $0x2;
	s5 =	sand.u32 $0x3E00, s5;
	s10 =	sshll.u32 s30, $0x9  }
0xd: {  	s12 =	simm.s32 $0x1000;
	s5 =	sadd.s32 s6, s5;
	s10 =	sadd.s32 s10, s6  }
0xe: {  	s6 =	sadd.s32 $0x200, s10;
	s10 =	sadd.s32 s31, s13;
	s13 =	simm.s32 $0x1  }
.LBB2_1:
0xf: {  	[tilespmem:s2], [sflag:$0x2] =	stream.linear.gather [hbm4b:s5+s2], $0x1000, $0x38;
	[tilespmem:$0xF000] =	vst v63  }
0x10: {  	_ =	swait.ge [sflag:s11], $0x1000  }
0x11: {  	[sflag:s11] =	ssyncset.done $0x0  }
0x12: {  	[sflag:s11] =	ssyncadd.s32 $0xFFFFF000  }
0x13: {  	[tilespmem:s12], [sflag:$0x2] =	stream.linear.gather [hbm4b:s6+s2], $0x1000, $0x38;
	[tilespmem:$0xF000] =	vst v63  }
0x14: {  	_ =	swait.ge [sflag:s11], $0x1000  }
0x15: {  	[sflag:s11] =	ssyncset.done $0x0  }
0x16: {  	s16 =	simm.s32 $0x0;
	s17 =	simm.s32 $0x40;
	[sflag:s11] =	ssyncadd.s32 $0xFFFFF000  }
.LBB2_2:
0x17: {  	p0 =	sne.s32 s17, $0x7FC0;
	v0 =	vld [tilespmem:s16+$0x0];
	_ =	sdelay $0x3  }
.Ltmp0:
0x18: {  	(pc) =	sbr.rel @p0 .LBB2_2-.Ltmp0, $4  }
0x19: {  	v1 =	vshll.u32 v0, $0x3  }
0x1a: {  	v0 =	vand.u32 $0x7F, v0;
	v1 =	vand.u32 $0xFFFFFC00, v1  }
0x1b: {  	v0 =	vor.u32 v0, v1  }
0x1c: {  	[tilespmem:s16+$0x0] =	vst v0;
	s16 =	sshra.s32 s17, $0x2;
	s17 =	sadd.s32 $0x40, s17  }
0x1d: {  	v0 =	vld [tilespmem:s16+$0x0];
	_ =	sdelay $0x2  }
0x1e: {  	s17 =	sshrl.u32 s10, $0x3  }
0x1f: {  	s18 =	sadd.s32 $0x0, s9;
	s19 =	sadd.s32 $0x1A0, s10;
	s17 =	smul.u32 $0xC3800, s17  }
0x20: {  	s19 =	sshrl.u32 s19, $0x5;
	s18 =	sand.u32 $0x380, s18;
	v1 =	vshll.u32 v0, $0x3  }
0x21: {  	s19 =	ssub.s32 s19, s4;
	s17 =	sor.u32 s18, s17;
	v0 =	vand.u32 $0x7F, v0;
	v1 =	vand.u32 $0xFFFFFC00, v1  }
0x22: {  	s31 =	sshll.u32 s19, $0xE;
	s17 =	sshrl.u32 s17, $0x3;
	v0 =	vor.u32 v0, v1  }
0x23: {  	s18 =	sshra.s32 s31, $0x2;
	s17 =	sadd.s32 s3, s17;
	[tilespmem:s16+$0x0] =	vst v0;
	s16 =	simm.s32 $0x2000  }
0x24: {  	[tilespmem:s16], [sflag:$0x1] =	stream.indirect.gather [hbm4b:s17+s12], $0x1, s18, s12, $0xb8;
	[tilespmem:$0xF000] =	vst v63  }
0x25: {  	s17 =	sadd.s32 $0x1, s10  }
0x26: {  	s19 =	sadd.s32 $0x80, s9;
	s18 =	simm.s32 $0x100;
	s20 =	sshrl.u32 s17, $0x3  }
.LBB2_4:
0x27: {  	p0 =	sne.s32 s18, $0x600;
	s21 =	sadd.s32 $0x1A0, s17;
	s20 =	smul.u32 $0xC3800, s20  }
0x28: {  	s19 =	sand.u32 $0x380, s19;
	s21 =	sshrl.u32 s21, $0x5  }
.Ltmp1:
0x29: {  	s21 =	ssub.s32 s21, s4;
	s19 =	sor.u32 s19, s20;
	(pc) =	sbr.rel @p0 .LBB2_4-.Ltmp1, $4  }
0x2a: {  	s16 =	sadd.s32 $0x1000, s16;
	s20 =	sshll.u32 s21, $0xE;
	s19 =	sshrl.u32 s19, $0x3  }
0x2b: {  	s17 =	sadd.s32 $0x1, s17;
	s20 =	sshra.s32 s20, $0x2;
	s19 =	sadd.s32 s3, s19  }
0x2c: {  	[tilespmem:s16], [sflag:$0x1] =	stream.indirect.gather [hbm4b:s19+s12], $0x1, s20, s12, $0xb8;
	[tilespmem:$0xF000] =	vst v63  }
0x2d: {  	s20 =	sshrl.u32 s17, $0x3;
	s19 =	sadd.s32 s18, s9;
	s18 =	sadd.s32 $0x80, s18  }
0x2e: {  	s17 =	sadd.s32 $0x1A0, s17;
	s18 =	smul.u32 $0xC3800, s20  }
0x2f: {  	s19 =	sand.u32 $0x380, s19;
	s17 =	sshrl.u32 s17, $0x5  }
0x30: {  	s17 =	ssub.s32 s17, s4;
	s18 =	sor.u32 s19, s18  }
0x31: {  	s17 =	sshll.u32 s17, $0xE;
	s18 =	sshrl.u32 s18, $0x3  }
0x32: {  	s16 =	sadd.s32 $0x1000, s16;
	s17 =	sshra.s32 s17, $0x2;
	s18 =	sadd.s32 s3, s18  }
0x33: {  	[tilespmem:s16], [sflag:$0x1] =	stream.indirect.gather [hbm4b:s18+s12], $0x1, s17, s12, $0xb8;
	[tilespmem:$0xF000] =	vst v63  }
0x34: {  	_ =	swait.ge [sflag:s13], $0x1000  }
0x35: {  	[sflag:s13] =	ssyncset.done $0x0  }
0x36: {  	[sflag:s13] =	ssyncadd.s32 $0xFFFFF000  }
0x37: {  	_ =	swait.ge [sflag:s13], $0x1000  }
0x38: {  	[sflag:s13] =	ssyncset.done $0x0  }
0x39: {  	[sflag:s13] =	ssyncadd.s32 $0xFFFFF000  }
0x3a: {  	_ =	swait.ge [sflag:s13], $0x1000  }
0x3b: {  	[sflag:s13] =	ssyncset.done $0x0  }
0x3c: {  	[sflag:s13] =	ssyncadd.s32 $0xFFFFF000  }
0x3d: {  	_ =	swait.ge [sflag:s13], $0x1000  }
0x3e: {  	[sflag:s13] =	ssyncset.done $0x0  }
0x3f: {  	[sflag:s13] =	ssyncadd.s32 $0xFFFFF000  }
0x40: {  	_ =	swait.ge [sflag:s13], $0x1000  }
0x41: {  	[sflag:s13] =	ssyncset.done $0x0  }
0x42: {  	[sflag:s13] =	ssyncadd.s32 $0xFFFFF000  }
0x43: {  	_ =	swait.ge [sflag:s13], $0x1000  }
0x44: {  	[sflag:s13] =	ssyncset.done $0x0  }
0x45: {  	[sflag:s13] =	ssyncadd.s32 $0xFFFFF000  }
0x46: {  	_ =	swait.ge [sflag:s13], $0x1000  }
0x47: {  	[sflag:s13] =	ssyncset.done $0x0  }
0x48: {  	[sflag:s13] =	ssyncadd.s32 $0xFFFFF000  }
0x49: {  	_ =	swait.ge [sflag:s13], $0x1000  }
0x4a: {  	[sflag:s13] =	ssyncset.done $0x0  }
0x4b: {  	[sflag:s13] =	ssyncadd.s32 $0xFFFFF000  }
0x4c: {  	_ =	swait.ge [sflag:s13], $0x1000  }
0x4d: {  	[sflag:s13] =	ssyncset.done $0x0  }
0x4e: {  	[sflag:s13] =	ssyncadd.s32 $0xFFFFF000  }
0x4f: {  	_ =	swait.ge [sflag:s13], $0x1000  }
0x50: {  	[sflag:s13] =	ssyncset.done $0x0  }
0x51: {  	[sflag:s13] =	ssyncadd.s32 $0xFFFFF000  }
0x52: {  	_ =	swait.ge [sflag:s13], $0x1000  }
0x53: {  	[sflag:s13] =	ssyncset.done $0x0  }
0x54: {  	[sflag:s13] =	ssyncadd.s32 $0xFFFFF000  }
0x55: {  	_ =	swait.ge [sflag:s13], $0x1000  }
0x56: {  	[sflag:s13] =	ssyncset.done $0x0  }
0x57: {  	[sflag:s13] =	ssyncadd.s32 $0xFFFFF000  }
0x58: {  	s15 =	sadd.s32 $0x1, s15;
	_ =	swait.ge [sflag:s13], $0x1000  }
0x59: {  	p0 =	sne.s32 s15, s8;
	[sflag:s13] =	ssyncset.done $0x0  }
.Ltmp2:
0x5a: {  	[sflag:s13] =	ssyncadd.s32 $0xFFFFF000;
	(pc) =	sbr.rel @p0 .LBB2_1-.Ltmp2, $4  }
0x5b: {  	[hbm4b:s7+s2] =	stream.linear.scatter [tilespmem:s14], [sflag:$0x2], $0xD000, $0x38;
	[tilespmem:$0xF000] =	vst v63  }
0x5c: {  	_ =	swait.ge [sflag:s11], $0xD000  }
0x5d: {  	[sflag:s11] =	ssyncset.done $0x0  }
0x5e: {  	[sflag:s11] =	ssyncadd.s32 $0xFFFF3000  }
0x5f: {  	_ =	sfence.sel $0x180000  }
0x60: {  	[bflag:$0x0] =	sbarrier.arrive $0xFFFF  }
0x61: {  	p0 =	sne.s32 s0, $0x0;
	_ =	strace $0x90000047  }
0x62: {  	s0 =	sadd.s32 @!p0 $0x100000, s1;
	[bflag:$0x2] =	sbarrier.arrive $0xFFFF  }
0x63: {  	[sflag:s0] =	ssyncadd.tile.s32 @!p0 $0x1;
	_ =	shalt  }
.Lfunc_end2:
_tile_overlayer_lowered:
.L_overlay_start_2:
0x64: {  	(tag) =	ssettag $0x2  }
0x65: {  	s0 =	rddreg [dreg:$0x0];
	s2 =	stileid.u32  }
0x66: {  	s1 =	rddreg [dreg:$0x1];
	p0 =	sne.s32 s2, $0x0  }
0x67: {  	s3 =	rddreg [dreg:$0x2];
	[bflag:$0x3] =	sbarrier.arrive $0xFFFF;
	s2 =	simm.s32 @!p0 $0x1C02  }
0x68: {  	[timem:s3], [sflag:s2] =	dma.local @!p0 [hbm:s0], s1  }
0x69: {  	s0 =	simm.s32 @!p0 $0x2  }
0x6a: {  	_ =	swait.ge @!p0 [sflag:s0], s1  }
0x6b: {  	s1 =	ssub.s32 @!p0 $0x0, s1;
	[sflag:s0] =	ssyncset.done @!p0 $0x0  }
0x6c: {  	[sflag:s0] =	ssyncadd.s32 @!p0 s1  }
0x6d: {  	[bflag:$0x3] =	sbarrier.arrive $0xFFFF  }
0x6e: {  	_ =	shalt  }

</sc_bundles>
